<compile_context>
chip_gen: v7x
topology: tpu7x:2x2x1
jax: 0.10.2.dev20260603
libtpu: 0.0.44.dev20260713+nightly
codegen_flags: <defaults>
</compile_context>

<pallas_src>
import functools

import jax
import jax.numpy as jnp
from jax import lax
from jax.experimental import pallas as pl
from jax.experimental.pallas import tpu as pltpu
from jax.experimental.pallas import tpu_sc as plsc

N = 10000
E = 320000
NFEAT = 128
NHID = 128
NCLASS = 40
NCLS_PAD = 48
HALF = NHID // 2

CHUNK_A = 128
CPT_A = 160
E_PAD_A = 16 * CPT_A * CHUNK_A
NPAD_A = 10240
RPT_A = NPAD_A // 16

CHUNK_B = 96
CPT_B = 106
E_PAD_B = 32 * CPT_B * CHUNK_B
NPAD_B = 10112
RPT_B = NPAD_B // 16


def _zero_acc_slice(rows0, acc, row0, rpt, chunk, d):
  zero16 = jnp.zeros((16,), jnp.float32)

  def zrow(i, carry):
    for l in range(d // 16):
      rows0[i, pl.ds(l * 16, 16)] = zero16
    return carry

  lax.fori_loop(0, chunk, zrow, 0)
  nfull = rpt // chunk
  for r in range(nfull):
    pltpu.sync_copy(rows0, acc.at[pl.ds(row0 + r * chunk, chunk)])
  rem = rpt - nfull * chunk
  if rem:
    pltpu.sync_copy(rows0.at[pl.ds(0, rem)],
                    acc.at[pl.ds(row0 + nfull * chunk, rem)])


def _pipeline(support_hbm, acc, sidx, didx, rows, gsem, ssem, cpt):

  def gather(jj, b):
    pltpu.async_copy(support_hbm.at[sidx.at[jj]], rows[b], gsem[b])

  def wait_gather(jj, b):
    pltpu.make_async_copy(support_hbm.at[sidx.at[jj]], rows[b],
                          gsem[b]).wait()

  def scatter(jj, b):
    pltpu.async_copy(rows[b], acc.at[didx.at[jj]], ssem[b], add=True)

  def wait_scatter(jj, b):
    pltpu.make_async_copy(rows[b], acc.at[didx.at[jj]], ssem[b]).wait()

  gather(0, 0)

  def body(j2, carry):
    for b in range(2):
      jj = j2 * 2 + b
      wait_gather(jj, b)
      scatter(jj, b)

      @pl.when(jj >= 1)
      def _():
        wait_scatter(jj - 1, 1 - b)

      @pl.when(jj + 1 < cpt)
      def _():
        gather(jj + 1, 1 - b)
    return carry

  lax.fori_loop(0, cpt // 2, body, 0)
  wait_scatter(cpt - 1, (cpt - 1) % 2)


def _make_spmm_col():
  mesh = plsc.VectorSubcoreMesh(core_axis_name="c", subcore_axis_name="s")

  @functools.partial(
      pl.kernel,
      mesh=mesh,
      out_type=jax.ShapeDtypeStruct((2 * NPAD_A, HALF), jnp.float32),
      compiler_params=pltpu.CompilerParams(use_tc_tiling_on_sc=False),
      scratch_types=[
          pltpu.VMEM((CPT_A, CHUNK_A), jnp.int32),
          pltpu.VMEM((CPT_A, CHUNK_A), jnp.int32),
          [pltpu.VMEM((CHUNK_A, HALF), jnp.float32) for _ in range(2)],
          pltpu.VMEM_SHARED((NPAD_A, HALF), jnp.float32),
          [pltpu.SemaphoreType.DMA for _ in range(2)],
          [pltpu.SemaphoreType.DMA for _ in range(2)],
          pltpu.SemaphoreType.DMA,
      ],
  )
  def spmm(table_hbm, src_hbm, dst_hbm, out_hbm, sidx, didx, rows, acc,
           gsem, ssem, isem):
    c = lax.axis_index("c")
    s = lax.axis_index("s")
    icp0 = pltpu.async_copy(src_hbm.at[c, s], sidx, isem)
    icp1 = pltpu.async_copy(dst_hbm.at[s], didx, isem)
    row0 = s * RPT_A
    _zero_acc_slice(rows[0], acc, row0, RPT_A, CHUNK_A, HALF)
    icp0.wait()
    icp1.wait()
    plsc.subcore_barrier()
    _pipeline(table_hbm, acc, sidx, didx, rows, gsem, ssem, CPT_A)
    plsc.subcore_barrier()
    pltpu.sync_copy(acc.at[pl.ds(row0, RPT_A)],
                    out_hbm.at[pl.ds(c * NPAD_A + row0, RPT_A)])

  return spmm


def _make_spmm_edge():
  mesh = plsc.VectorSubcoreMesh(core_axis_name="c", subcore_axis_name="s")

  @functools.partial(
      pl.kernel,
      mesh=mesh,
      out_type=jax.ShapeDtypeStruct((2 * NPAD_B, NCLS_PAD), jnp.float32),
      compiler_params=pltpu.CompilerParams(use_tc_tiling_on_sc=False),
      scratch_types=[
          pltpu.VMEM((CPT_B, CHUNK_B), jnp.int32),
          pltpu.VMEM((CPT_B, CHUNK_B), jnp.int32),
          [pltpu.VMEM((CHUNK_B, NCLS_PAD), jnp.float32) for _ in range(2)],
          pltpu.VMEM_SHARED((NPAD_B, NCLS_PAD), jnp.float32),
          [pltpu.SemaphoreType.DMA for _ in range(2)],
          [pltpu.SemaphoreType.DMA for _ in range(2)],
          pltpu.SemaphoreType.DMA,
      ],
  )
  def spmm(support_hbm, src_hbm, dst_hbm, out_hbm, sidx, didx, rows, acc,
           gsem, ssem, isem):
    c = lax.axis_index("c")
    s = lax.axis_index("s")
    wid = c * 16 + s
    icp0 = pltpu.async_copy(src_hbm.at[wid], sidx, isem)
    icp1 = pltpu.async_copy(dst_hbm.at[wid], didx, isem)
    row0 = s * RPT_B
    _zero_acc_slice(rows[0], acc, row0, RPT_B, CHUNK_B, NCLS_PAD)
    icp0.wait()
    icp1.wait()
    plsc.subcore_barrier()
    _pipeline(support_hbm, acc, sidx, didx, rows, gsem, ssem, CPT_B)
    plsc.subcore_barrier()
    pltpu.sync_copy(acc.at[pl.ds(row0, RPT_B)],
                    out_hbm.at[pl.ds(c * NPAD_B + row0, RPT_B)])

  return spmm


_spmm_col = _make_spmm_col()
_spmm_edge = _make_spmm_edge()


def _mm_split(x, W, rows_blk=1000):
  n, k = x.shape

  def kern(x_ref, w_ref, o_ref):
    o_ref[...] = jnp.dot(x_ref[...], w_ref[0],
                         preferred_element_type=jnp.float32)[None]

  return pl.pallas_call(
      kern,
      grid=(n // rows_blk, 2),
      in_specs=[
          pl.BlockSpec((rows_blk, k), lambda i, j: (i, 0)),
          pl.BlockSpec((1, k, HALF), lambda i, j: (j, 0, 0)),
      ],
      out_specs=pl.BlockSpec((1, rows_blk, HALF), lambda i, j: (j, i, 0)),
      out_shape=jax.ShapeDtypeStruct((2, n, HALF), jnp.float32),
  )(x, W)


def _combine_mm_split(h0, h1, b, W, rows_blk=1000):
  n = h0.shape[0]
  k = W.shape[1]

  def kern(h0_ref, h1_ref, b_ref, w_ref, o_ref):
    h = jnp.concatenate([h0_ref[...], h1_ref[...]], axis=1)
    h = jnp.maximum(h + b_ref[...], 0.0)
    o_ref[...] = jnp.dot(h, w_ref[0],
                         preferred_element_type=jnp.float32)[None]

  return pl.pallas_call(
      kern,
      grid=(n // rows_blk, 2),
      in_specs=[
          pl.BlockSpec((rows_blk, HALF), lambda i, j: (i, 0)),
          pl.BlockSpec((rows_blk, HALF), lambda i, j: (i, 0)),
          pl.BlockSpec((1, k), lambda i, j: (0, 0)),
          pl.BlockSpec((1, k, HALF), lambda i, j: (j, 0, 0)),
      ],
      out_specs=pl.BlockSpec((1, rows_blk, HALF), lambda i, j: (j, i, 0)),
      out_shape=jax.ShapeDtypeStruct((2, n, HALF), jnp.float32),
  )(h0, h1, b.reshape(1, k), W)


def _combine_mm_flat(h0, h1, b, W, rows_blk=1000):
  n = h0.shape[0]
  k, m = W.shape

  def kern(h0_ref, h1_ref, b_ref, w_ref, o_ref):
    h = jnp.concatenate([h0_ref[...], h1_ref[...]], axis=1)
    h = jnp.maximum(h + b_ref[...], 0.0)
    o_ref[...] = jnp.dot(h, w_ref[...], preferred_element_type=jnp.float32)

  return pl.pallas_call(
      kern,
      grid=(n // rows_blk,),
      in_specs=[
          pl.BlockSpec((rows_blk, HALF), lambda i: (i, 0)),
          pl.BlockSpec((rows_blk, HALF), lambda i: (i, 0)),
          pl.BlockSpec((1, k), lambda i: (0, 0)),
          pl.BlockSpec((k, m), lambda i: (0, 0)),
      ],
      out_specs=pl.BlockSpec((rows_blk, m), lambda i: (i, 0)),
      out_shape=jax.ShapeDtypeStruct((n, m), jnp.float32),
  )(h0, h1, b.reshape(1, k), W)


def _final_logsoftmax(p0, p1, b, rows_blk=1000):
  n, k = p0.shape

  def kern(p0_ref, p1_ref, b_ref, o_ref):
    v = p0_ref[...] + p1_ref[...] + b_ref[...]
    col = lax.broadcasted_iota(jnp.int32, v.shape, 1)
    valid = col < NCLASS
    vm = jnp.where(valid, v, jnp.float32(-1e30))
    mx = jnp.max(vm, axis=1, keepdims=True)
    ex = jnp.where(valid, jnp.exp(v - mx), 0.0)
    ssum = jnp.sum(ex, axis=1, keepdims=True)
    o_ref[...] = v - mx - jnp.log(ssum)

  out = pl.pallas_call(
      kern,
      grid=(n // rows_blk,),
      in_specs=[
          pl.BlockSpec((rows_blk, k), lambda i: (i, 0)),
          pl.BlockSpec((rows_blk, k), lambda i: (i, 0)),
          pl.BlockSpec((1, k), lambda i: (0, 0)),
      ],
      out_specs=pl.BlockSpec((rows_blk, k), lambda i: (i, 0)),
      out_shape=jax.ShapeDtypeStruct((n, k), jnp.float32),
  )(p0, p1, b.reshape(1, k))
  return out[:, :NCLASS]


def kernel(x, adj, W1, b1, W2, b2, W3, b3):
  padA = jnp.arange(E_PAD_A - E, dtype=jnp.int32)
  srcA = jnp.concatenate([adj[0], padA % N])
  srcAx = jnp.stack([srcA, srcA + N]).reshape(2, 16, CPT_A, CHUNK_A)
  dstA = jnp.concatenate([adj[1], N + padA % (NPAD_A - N)]).reshape(
      16, CPT_A, CHUNK_A)

  padB = jnp.arange(E_PAD_B - E, dtype=jnp.int32)
  srcB = jnp.concatenate([adj[0], padB % N]).reshape(32, CPT_B, CHUNK_B)
  dstB = jnp.concatenate([adj[1], N + padB % (NPAD_B - N)]).reshape(
      32, CPT_B, CHUNK_B)

  W1s = W1.reshape(NFEAT, 2, HALF).transpose(1, 0, 2)
  W2s = W2.reshape(NHID, 2, HALF).transpose(1, 0, 2)
  table = _mm_split(x, W1s).reshape(2 * N, HALF)
  parts = _spmm_col(table, srcAx, dstA)
  h0, h1 = parts[:N], parts[NPAD_A:NPAD_A + N]

  table = _combine_mm_split(h0, h1, b1, W2s).reshape(2 * N, HALF)
  parts = _spmm_col(table, srcAx, dstA)
  h0, h1 = parts[:N], parts[NPAD_A:NPAD_A + N]

  W3p = jnp.concatenate(
      [W3, jnp.zeros((NHID, NCLS_PAD - NCLASS), jnp.float32)], axis=1)
  b3p = jnp.concatenate([b3, jnp.zeros((NCLS_PAD - NCLASS,), jnp.float32)])
  support = _combine_mm_flat(h0, h1, b2, W3p)
  parts = _spmm_edge(support, srcB, dstB)
  q0, q1 = parts[:N], parts[NPAD_B:NPAD_B + N]

  return _final_logsoftmax(q0, q1, b3p)

# --- scband reference (transcript-rebuilt; emitter-appended) ---
"""Pipeline reference for scband-gcn-78580721648121 (READ-ONLY COPY).

The authoritative reference and input builder live on the scoring server;
editing this copy changes nothing except your own understanding.
"""

import jax, jax.numpy as jnp
import numpy as np

N = 10000
E = 320000
NFEAT = 128
NHID = 128
NCLASS = 40


def setup_inputs(seed: int = 0) -> dict:
    key = jax.random.key(seed)
    ks = jax.random.split(key, 9)
    x = jax.random.normal(ks[0], (N, NFEAT), dtype=jnp.float32)
    adj = jax.random.randint(ks[1], (2, E), 0, N, dtype=jnp.int32)
    W1 = jax.random.normal(ks[2], (NFEAT, NHID), dtype=jnp.float32) * 0.05
    b1 = jnp.zeros((NHID,), dtype=jnp.float32)
    W2 = jax.random.normal(ks[3], (NHID, NHID), dtype=jnp.float32) * 0.05
    b2 = jnp.zeros((NHID,), dtype=jnp.float32)
    W3 = jax.random.normal(ks[4], (NHID, NCLASS), dtype=jnp.float32) * 0.05
    b3 = jnp.zeros((NCLASS,), dtype=jnp.float32)
    return {"x": x, "adj": adj, "W1": W1, "b1": b1, "W2": W2, "b2": b2, "W3": W3, "b3": b3}


def _gc_layer(h, adj, W, b):
    # GraphConvolution: support = h @ W; output = spmm(adj, support) + b
    support = h @ W
    msgs = jnp.take(support, adj[0], axis=0)  # gather from source nodes
    agg = jax.ops.segment_sum(msgs, adj[1], num_segments=N)  # scatter-add to dst nodes
    return agg + b


def reference(x, adj, W1, b1, W2, b2, W3, b3):
    # dataset != 'aminer' so no FeatureProjection; dropout disabled (eval-mode reference)
    h = jax.nn.relu(_gc_layer(x, adj, W1, b1))
    h = jax.nn.relu(_gc_layer(h, adj, W2, b2))
    out = _gc_layer(h, adj, W3, b3)
    return jax.nn.log_softmax(out, axis=1)

if __name__ == "__main__":
    import jax
    _d = setup_inputs()
    print(jax.jit(kernel)(*tuple(_d.values())))

</pallas_src>

<mosaic_0001>
#map = affine_map<(d0, d1) -> (0, 0)>
#map1 = affine_map<(d0, d1) -> (0, 0, 0)>
module attributes {stable_mosaic.version = 14 : i64} {
  func.func @spmm(%arg0: i32, %arg1: i32, %arg2: memref<10000x48xf32, #tpu.memory_space<hbm>>, %arg3: memref<32x106x96xi32, #tpu.memory_space<hbm>>, %arg4: memref<32x106x96xi32, #tpu.memory_space<hbm>>, %arg5: memref<20224x48xf32, #tpu.memory_space<hbm>>, %arg6: memref<106x96xi32, #tpu.memory_space<vmem>>, %arg7: memref<106x96xi32, #tpu.memory_space<vmem>>, %arg8: memref<96x48xf32, #tpu.memory_space<vmem>>, %arg9: memref<96x48xf32, #tpu.memory_space<vmem>>, %arg10: memref<10112x48xf32, #tpu.memory_space<vmem_shared>>, %arg11: memref<!tpu.dma_semaphore, #tpu.memory_space<semaphore_mem>>, %arg12: memref<!tpu.dma_semaphore, #tpu.memory_space<semaphore_mem>>, %arg13: memref<!tpu.dma_semaphore, #tpu.memory_space<semaphore_mem>>, %arg14: memref<!tpu.dma_semaphore, #tpu.memory_space<semaphore_mem>>, %arg15: memref<!tpu.dma_semaphore, #tpu.memory_space<semaphore_mem>>) attributes {dimension_semantics = [#tpu.dimension_semantics<core_parallel>, #tpu.dimension_semantics<subcore_parallel>], iteration_bounds = array<i64: 2, 16>, scalar_prefetch = 0 : i64, scratch_operands = 10 : i64, tpu.core_type = #tpu.core_type<sc_vector_subcore>, window_params = [{transform_indices = #map}, {transform_indices = #map1}, {transform_indices = #map1}, {transform_indices = #map}]} {
    %mul3A = arith.constant 16 : i32
    %mul3A_0 = arith.muli %arg0, %mul3A : i32
    %add3A = arith.addi %mul3A_0, %arg1 : i32
    %dma_start3A = arith.constant 0 : i32
    %dma_start3A_1 = arith.constant 0 : i32
    %dma_start3A_2 = tpu.memref_slice %arg3[%add3A, %dma_start3A, %dma_start3A_1] : memref<32x106x96xi32, #tpu.memory_space<hbm>> -> memref<1x106x96xi32, #tpu.memory_space<hbm>>
    %dma_start3A_3 = tpu.memref_squeeze %dma_start3A_2 : memref<1x106x96xi32, #tpu.memory_space<hbm>> -> memref<106x96xi32, #tpu.memory_space<hbm>>
    %dma_start3A_4 = arith.constant 0 : i32
    %dma_start3A_5 = arith.constant 0 : i32
    %dma_start3A_6 = tpu.memref_slice %arg3[%add3A, %dma_start3A_4, %dma_start3A_5] : memref<32x106x96xi32, #tpu.memory_space<hbm>> -> memref<1x106x96xi32, #tpu.memory_space<hbm>>
    %dma_start3A_7 = tpu.memref_squeeze %dma_start3A_6 : memref<1x106x96xi32, #tpu.memory_space<hbm>> -> memref<106x96xi32, #tpu.memory_space<hbm>>
    tpu.enqueue_dma source(%dma_start3A_7 : memref<106x96xi32, #tpu.memory_space<hbm>>) target(%arg6 : memref<106x96xi32, #tpu.memory_space<vmem>>) target_semaphore(%arg15 : memref<!tpu.dma_semaphore, #tpu.memory_space<semaphore_mem>>)
    %dma_start3A_8 = arith.constant 0 : i32
    %dma_start3A_9 = arith.constant 0 : i32
    %dma_start3A_10 = tpu.memref_slice %arg4[%add3A, %dma_start3A_8, %dma_start3A_9] : memref<32x106x96xi32, #tpu.memory_space<hbm>> -> memref<1x106x96xi32, #tpu.memory_space<hbm>>
    %dma_start3A_11 = tpu.memref_squeeze %dma_start3A_10 : memref<1x106x96xi32, #tpu.memory_space<hbm>> -> memref<106x96xi32, #tpu.memory_space<hbm>>
    %dma_start3A_12 = arith.constant 0 : i32
    %dma_start3A_13 = arith.constant 0 : i32
    %dma_start3A_14 = tpu.memref_slice %arg4[%add3A, %dma_start3A_12, %dma_start3A_13] : memref<32x106x96xi32, #tpu.memory_space<hbm>> -> memref<1x106x96xi32, #tpu.memory_space<hbm>>
    %dma_start3A_15 = tpu.memref_squeeze %dma_start3A_14 : memref<1x106x96xi32, #tpu.memory_space<hbm>> -> memref<106x96xi32, #tpu.memory_space<hbm>>
    tpu.enqueue_dma source(%dma_start3A_15 : memref<106x96xi32, #tpu.memory_space<hbm>>) target(%arg7 : memref<106x96xi32, #tpu.memory_space<vmem>>) target_semaphore(%arg15 : memref<!tpu.dma_semaphore, #tpu.memory_space<semaphore_mem>>)
    %mul3A_16 = arith.constant 632 : i32
    %mul3A_17 = arith.muli %arg1, %mul3A_16 : i32
    %broadcast_in_dim3A = arith.constant 0.000000e+00 : f32
    %broadcast_in_dim3A_18 = vector.broadcast %broadcast_in_dim3A : f32 to vector<16xf32>
    %scan3A = arith.constant 0 : i32
    %scan3A_19 = arith.constant 0 : i32
    %scan3A_20 = arith.constant 96 : i32
    %scan3A_21 = arith.addi %scan3A_19, %scan3A_20 : i32
    %scan3A_22 = arith.constant 1 : i32
    scf.for %scan3A_77 = %scan3A_19 to %scan3A_21 step %scan3A_22  : i32 {
      %swap3A = arith.index_cast %scan3A_77 : i32 to index
      %swap3A_78 = arith.constant 0 : index
      %swap3A_79 = tpu.vector_load %arg8[%swap3A, %swap3A_78] {strides = array<i32>} : memref<96x48xf32, #tpu.memory_space<vmem>>, vector<1x16xf32>,
      %swap3A_80 = vector.shape_cast %swap3A_79 : vector<1x16xf32> to vector<16xf32>
      %swap3A_81 = vector.shape_cast %broadcast_in_dim3A_18 : vector<16xf32> to vector<1x16xf32>
      tpu.vector_store %arg8[%swap3A, %swap3A_78], %swap3A_81 {strides = array<i32>} : memref<96x48xf32, #tpu.memory_space<vmem>>, vector<1x16xf32>,
      %swap3A_82 = arith.index_cast %scan3A_77 : i32 to index
      %swap3A_83 = arith.constant 16 : index
      %swap3A_84 = tpu.vector_load %arg8[%swap3A_82, %swap3A_83] {strides = array<i32>} : memref<96x48xf32, #tpu.memory_space<vmem>>, vector<1x16xf32>,
      %swap3A_85 = vector.shape_cast %swap3A_84 : vector<1x16xf32> to vector<16xf32>
      %swap3A_86 = vector.shape_cast %broadcast_in_dim3A_18 : vector<16xf32> to vector<1x16xf32>
      tpu.vector_store %arg8[%swap3A_82, %swap3A_83], %swap3A_86 {strides = array<i32>} : memref<96x48xf32, #tpu.memory_space<vmem>>, vector<1x16xf32>,
      %swap3A_87 = arith.index_cast %scan3A_77 : i32 to index
      %swap3A_88 = arith.constant 32 : index
      %swap3A_89 = tpu.vector_load %arg8[%swap3A_87, %swap3A_88] {strides = array<i32>} : memref<96x48xf32, #tpu.memory_space<vmem>>, vector<1x16xf32>,
      %swap3A_90 = vector.shape_cast %swap3A_89 : vector<1x16xf32> to vector<16xf32>
      %swap3A_91 = vector.shape_cast %broadcast_in_dim3A_18 : vector<16xf32> to vector<1x16xf32>
      tpu.vector_store %arg8[%swap3A_87, %swap3A_88], %swap3A_91 {strides = array<i32>} : memref<96x48xf32, #tpu.memory_space<vmem>>, vector<1x16xf32>,
    }
    %scan3A_23 = arith.constant 96 : i32
    %add3A_24 = arith.constant 0 : i32
    %add3A_25 = arith.addi %mul3A_17, %add3A_24 : i32
    "tpu.region"() ({
      %run_scoped3A = tpu.sem_alloc : memref<!tpu.dma_semaphore, #tpu.memory_space<semaphore_mem>>
      %dma_start3A_77 = arith.constant 0 : i32
      %dma_start3A_78 = tpu.memref_slice %arg10[%add3A_25, %dma_start3A_77] : memref<10112x48xf32, #tpu.memory_space<vmem_shared>> -> memref<96x48xf32, #tpu.memory_space<vmem_shared>>
      %dma_start3A_79 = arith.constant 0 : i32
      %dma_start3A_80 = tpu.memref_slice %arg10[%add3A_25, %dma_start3A_79] : memref<10112x48xf32, #tpu.memory_space<vmem_shared>> -> memref<96x48xf32, #tpu.memory_space<vmem_shared>>
      tpu.enqueue_dma source(%arg8 : memref<96x48xf32, #tpu.memory_space<vmem>>) target(%dma_start3A_80 : memref<96x48xf32, #tpu.memory_space<vmem_shared>>) target_semaphore(%run_scoped3A : memref<!tpu.dma_semaphore, #tpu.memory_space<semaphore_mem>>)
      %dma_wait3A_81 = arith.constant 0 : i32
      %dma_wait3A_82 = tpu.memref_slice %arg10[%add3A_25, %dma_wait3A_81] : memref<10112x48xf32, #tpu.memory_space<vmem_shared>> -> memref<96x48xf32, #tpu.memory_space<vmem_shared>>
      %dma_wait3A_83 = arith.constant 0 : i32
      %dma_wait3A_84 = tpu.memref_slice %arg10[%add3A_25, %dma_wait3A_83] : memref<10112x48xf32, #tpu.memory_space<vmem_shared>> -> memref<96x48xf32, #tpu.memory_space<vmem_shared>>
      tpu.wait_dma2 semaphore(%run_scoped3A : memref<!tpu.dma_semaphore, #tpu.memory_space<semaphore_mem>>) src(%arg8 : memref<96x48xf32, #tpu.memory_space<vmem>>) dst(%dma_wait3A_84 : memref<96x48xf32, #tpu.memory_space<vmem_shared>>)
      tpu.yield
    }) : () -> ()
    %add3A_26 = arith.constant 96 : i32
    %add3A_27 = arith.addi %mul3A_17, %add3A_26 : i32
    "tpu.region"() ({
      %run_scoped3A = tpu.sem_alloc : memref<!tpu.dma_semaphore, #tpu.memory_space<semaphore_mem>>
      %dma_start3A_77 = arith.constant 0 : i32
      %dma_start3A_78 = tpu.memref_slice %arg10[%add3A_27, %dma_start3A_77] : memref<10112x48xf32, #tpu.memory_space<vmem_shared>> -> memref<96x48xf32, #tpu.memory_space<vmem_shared>>
      %dma_start3A_79 = arith.constant 0 : i32
      %dma_start3A_80 = tpu.memref_slice %arg10[%add3A_27, %dma_start3A_79] : memref<10112x48xf32, #tpu.memory_space<vmem_shared>> -> memref<96x48xf32, #tpu.memory_space<vmem_shared>>
      tpu.enqueue_dma source(%arg8 : memref<96x48xf32, #tpu.memory_space<vmem>>) target(%dma_start3A_80 : memref<96x48xf32, #tpu.memory_space<vmem_shared>>) target_semaphore(%run_scoped3A : memref<!tpu.dma_semaphore, #tpu.memory_space<semaphore_mem>>)
      %dma_wait3A_81 = arith.constant 0 : i32
      %dma_wait3A_82 = tpu.memref_slice %arg10[%add3A_27, %dma_wait3A_81] : memref<10112x48xf32, #tpu.memory_space<vmem_shared>> -> memref<96x48xf32, #tpu.memory_space<vmem_shared>>
      %dma_wait3A_83 = arith.constant 0 : i32
      %dma_wait3A_84 = tpu.memref_slice %arg10[%add3A_27, %dma_wait3A_83] : memref<10112x48xf32, #tpu.memory_space<vmem_shared>> -> memref<96x48xf32, #tpu.memory_space<vmem_shared>>
      tpu.wait_dma2 semaphore(%run_scoped3A : memref<!tpu.dma_semaphore, #tpu.memory_space<semaphore_mem>>) src(%arg8 : memref<96x48xf32, #tpu.memory_space<vmem>>) dst(%dma_wait3A_84 : memref<96x48xf32, #tpu.memory_space<vmem_shared>>)
      tpu.yield
    }) : () -> ()
    %add3A_28 = arith.constant 192 : i32
    %add3A_29 = arith.addi %mul3A_17, %add3A_28 : i32
    "tpu.region"() ({
      %run_scoped3A = tpu.sem_alloc : memref<!tpu.dma_semaphore, #tpu.memory_space<semaphore_mem>>
      %dma_start3A_77 = arith.constant 0 : i32
      %dma_start3A_78 = tpu.memref_slice %arg10[%add3A_29, %dma_start3A_77] : memref<10112x48xf32, #tpu.memory_space<vmem_shared>> -> memref<96x48xf32, #tpu.memory_space<vmem_shared>>
      %dma_start3A_79 = arith.constant 0 : i32
      %dma_start3A_80 = tpu.memref_slice %arg10[%add3A_29, %dma_start3A_79] : memref<10112x48xf32, #tpu.memory_space<vmem_shared>> -> memref<96x48xf32, #tpu.memory_space<vmem_shared>>
      tpu.enqueue_dma source(%arg8 : memref<96x48xf32, #tpu.memory_space<vmem>>) target(%dma_start3A_80 : memref<96x48xf32, #tpu.memory_space<vmem_shared>>) target_semaphore(%run_scoped3A : memref<!tpu.dma_semaphore, #tpu.memory_space<semaphore_mem>>)
      %dma_wait3A_81 = arith.constant 0 : i32
      %dma_wait3A_82 = tpu.memref_slice %arg10[%add3A_29, %dma_wait3A_81] : memref<10112x48xf32, #tpu.memory_space<vmem_shared>> -> memref<96x48xf32, #tpu.memory_space<vmem_shared>>
      %dma_wait3A_83 = arith.constant 0 : i32
      %dma_wait3A_84 = tpu.memref_slice %arg10[%add3A_29, %dma_wait3A_83] : memref<10112x48xf32, #tpu.memory_space<vmem_shared>> -> memref<96x48xf32, #tpu.memory_space<vmem_shared>>
      tpu.wait_dma2 semaphore(%run_scoped3A : memref<!tpu.dma_semaphore, #tpu.memory_space<semaphore_mem>>) src(%arg8 : memref<96x48xf32, #tpu.memory_space<vmem>>) dst(%dma_wait3A_84 : memref<96x48xf32, #tpu.memory_space<vmem_shared>>)
      tpu.yield
    }) : () -> ()
    %add3A_30 = arith.constant 288 : i32
    %add3A_31 = arith.addi %mul3A_17, %add3A_30 : i32
    "tpu.region"() ({
      %run_scoped3A = tpu.sem_alloc : memref<!tpu.dma_semaphore, #tpu.memory_space<semaphore_mem>>
      %dma_start3A_77 = arith.constant 0 : i32
      %dma_start3A_78 = tpu.memref_slice %arg10[%add3A_31, %dma_start3A_77] : memref<10112x48xf32, #tpu.memory_space<vmem_shared>> -> memref<96x48xf32, #tpu.memory_space<vmem_shared>>
      %dma_start3A_79 = arith.constant 0 : i32
      %dma_start3A_80 = tpu.memref_slice %arg10[%add3A_31, %dma_start3A_79] : memref<10112x48xf32, #tpu.memory_space<vmem_shared>> -> memref<96x48xf32, #tpu.memory_space<vmem_shared>>
      tpu.enqueue_dma source(%arg8 : memref<96x48xf32, #tpu.memory_space<vmem>>) target(%dma_start3A_80 : memref<96x48xf32, #tpu.memory_space<vmem_shared>>) target_semaphore(%run_scoped3A : memref<!tpu.dma_semaphore, #tpu.memory_space<semaphore_mem>>)
      %dma_wait3A_81 = arith.constant 0 : i32
      %dma_wait3A_82 = tpu.memref_slice %arg10[%add3A_31, %dma_wait3A_81] : memref<10112x48xf32, #tpu.memory_space<vmem_shared>> -> memref<96x48xf32, #tpu.memory_space<vmem_shared>>
      %dma_wait3A_83 = arith.constant 0 : i32
      %dma_wait3A_84 = tpu.memref_slice %arg10[%add3A_31, %dma_wait3A_83] : memref<10112x48xf32, #tpu.memory_space<vmem_shared>> -> memref<96x48xf32, #tpu.memory_space<vmem_shared>>
      tpu.wait_dma2 semaphore(%run_scoped3A : memref<!tpu.dma_semaphore, #tpu.memory_space<semaphore_mem>>) src(%arg8 : memref<96x48xf32, #tpu.memory_space<vmem>>) dst(%dma_wait3A_84 : memref<96x48xf32, #tpu.memory_space<vmem_shared>>)
      tpu.yield
    }) : () -> ()
    %add3A_32 = arith.constant 384 : i32
    %add3A_33 = arith.addi %mul3A_17, %add3A_32 : i32
    "tpu.region"() ({
      %run_scoped3A = tpu.sem_alloc : memref<!tpu.dma_semaphore, #tpu.memory_space<semaphore_mem>>
      %dma_start3A_77 = arith.constant 0 : i32
      %dma_start3A_78 = tpu.memref_slice %arg10[%add3A_33, %dma_start3A_77] : memref<10112x48xf32, #tpu.memory_space<vmem_shared>> -> memref<96x48xf32, #tpu.memory_space<vmem_shared>>
      %dma_start3A_79 = arith.constant 0 : i32
      %dma_start3A_80 = tpu.memref_slice %arg10[%add3A_33, %dma_start3A_79] : memref<10112x48xf32, #tpu.memory_space<vmem_shared>> -> memref<96x48xf32, #tpu.memory_space<vmem_shared>>
      tpu.enqueue_dma source(%arg8 : memref<96x48xf32, #tpu.memory_space<vmem>>) target(%dma_start3A_80 : memref<96x48xf32, #tpu.memory_space<vmem_shared>>) target_semaphore(%run_scoped3A : memref<!tpu.dma_semaphore, #tpu.memory_space<semaphore_mem>>)
      %dma_wait3A_81 = arith.constant 0 : i32
      %dma_wait3A_82 = tpu.memref_slice %arg10[%add3A_33, %dma_wait3A_81] : memref<10112x48xf32, #tpu.memory_space<vmem_shared>> -> memref<96x48xf32, #tpu.memory_space<vmem_shared>>
      %dma_wait3A_83 = arith.constant 0 : i32
      %dma_wait3A_84 = tpu.memref_slice %arg10[%add3A_33, %dma_wait3A_83] : memref<10112x48xf32, #tpu.memory_space<vmem_shared>> -> memref<96x48xf32, #tpu.memory_space<vmem_shared>>
      tpu.wait_dma2 semaphore(%run_scoped3A : memref<!tpu.dma_semaphore, #tpu.memory_space<semaphore_mem>>) src(%arg8 : memref<96x48xf32, #tpu.memory_space<vmem>>) dst(%dma_wait3A_84 : memref<96x48xf32, #tpu.memory_space<vmem_shared>>)
      tpu.yield
    }) : () -> ()
    %add3A_34 = arith.constant 480 : i32
    %add3A_35 = arith.addi %mul3A_17, %add3A_34 : i32
    "tpu.region"() ({
      %run_scoped3A = tpu.sem_alloc : memref<!tpu.dma_semaphore, #tpu.memory_space<semaphore_mem>>
      %dma_start3A_77 = arith.constant 0 : i32
      %dma_start3A_78 = tpu.memref_slice %arg10[%add3A_35, %dma_start3A_77] : memref<10112x48xf32, #tpu.memory_space<vmem_shared>> -> memref<96x48xf32, #tpu.memory_space<vmem_shared>>
      %dma_start3A_79 = arith.constant 0 : i32
      %dma_start3A_80 = tpu.memref_slice %arg10[%add3A_35, %dma_start3A_79] : memref<10112x48xf32, #tpu.memory_space<vmem_shared>> -> memref<96x48xf32, #tpu.memory_space<vmem_shared>>
      tpu.enqueue_dma source(%arg8 : memref<96x48xf32, #tpu.memory_space<vmem>>) target(%dma_start3A_80 : memref<96x48xf32, #tpu.memory_space<vmem_shared>>) target_semaphore(%run_scoped3A : memref<!tpu.dma_semaphore, #tpu.memory_space<semaphore_mem>>)
      %dma_wait3A_81 = arith.constant 0 : i32
      %dma_wait3A_82 = tpu.memref_slice %arg10[%add3A_35, %dma_wait3A_81] : memref<10112x48xf32, #tpu.memory_space<vmem_shared>> -> memref<96x48xf32, #tpu.memory_space<vmem_shared>>
      %dma_wait3A_83 = arith.constant 0 : i32
      %dma_wait3A_84 = tpu.memref_slice %arg10[%add3A_35, %dma_wait3A_83] : memref<10112x48xf32, #tpu.memory_space<vmem_shared>> -> memref<96x48xf32, #tpu.memory_space<vmem_shared>>
      tpu.wait_dma2 semaphore(%run_scoped3A : memref<!tpu.dma_semaphore, #tpu.memory_space<semaphore_mem>>) src(%arg8 : memref<96x48xf32, #tpu.memory_space<vmem>>) dst(%dma_wait3A_84 : memref<96x48xf32, #tpu.memory_space<vmem_shared>>)
      tpu.yield
    }) : () -> ()
    %add3A_36 = arith.constant 576 : i32
    %add3A_37 = arith.addi %mul3A_17, %add3A_36 : i32
    "tpu.region"() ({
      %run_scoped3A = tpu.sem_alloc : memref<!tpu.dma_semaphore, #tpu.memory_space<semaphore_mem>>
      %dma_start3A_77 = arith.constant 0 : i32
      %dma_start3A_78 = arith.constant 0 : i32
      %dma_start3A_79 = tpu.memref_slice %arg8[%dma_start3A_77, %dma_start3A_78] : memref<96x48xf32, #tpu.memory_space<vmem>> -> memref<56x48xf32, #tpu.memory_space<vmem>>
      %dma_start3A_80 = arith.constant 0 : i32
      %dma_start3A_81 = tpu.memref_slice %arg10[%add3A_37, %dma_start3A_80] : memref<10112x48xf32, #tpu.memory_space<vmem_shared>> -> memref<56x48xf32, #tpu.memory_space<vmem_shared>>
      %dma_start3A_82 = arith.constant 0 : i32
      %dma_start3A_83 = tpu.memref_slice %arg10[%add3A_37, %dma_start3A_82] : memref<10112x48xf32, #tpu.memory_space<vmem_shared>> -> memref<56x48xf32, #tpu.memory_space<vmem_shared>>
      %dma_start3A_84 = arith.constant 0 : i32
      %dma_start3A_85 = arith.constant 0 : i32
      %dma_start3A_86 = tpu.memref_slice %arg8[%dma_start3A_84, %dma_start3A_85] : memref<96x48xf32, #tpu.memory_space<vmem>> -> memref<56x48xf32, #tpu.memory_space<vmem>>
      tpu.enqueue_dma source(%dma_start3A_86 : memref<56x48xf32, #tpu.memory_space<vmem>>) target(%dma_start3A_83 : memref<56x48xf32, #tpu.memory_space<vmem_shared>>) target_semaphore(%run_scoped3A : memref<!tpu.dma_semaphore, #tpu.memory_space<semaphore_mem>>)
      %dma_wait3A_87 = arith.constant 0 : i32
      %dma_wait3A_88 = arith.constant 0 : i32
      %dma_wait3A_89 = tpu.memref_slice %arg8[%dma_wait3A_87, %dma_wait3A_88] : memref<96x48xf32, #tpu.memory_space<vmem>> -> memref<56x48xf32, #tpu.memory_space<vmem>>
      %dma_wait3A_90 = arith.constant 0 : i32
      %dma_wait3A_91 = tpu.memref_slice %arg10[%add3A_37, %dma_wait3A_90] : memref<10112x48xf32, #tpu.memory_space<vmem_shared>> -> memref<56x48xf32, #tpu.memory_space<vmem_shared>>
      %dma_wait3A_92 = arith.constant 0 : i32
      %dma_wait3A_93 = tpu.memref_slice %arg10[%add3A_37, %dma_wait3A_92] : memref<10112x48xf32, #tpu.memory_space<vmem_shared>> -> memref<56x48xf32, #tpu.memory_space<vmem_shared>>
      %dma_wait3A_94 = arith.constant 0 : i32
      %dma_wait3A_95 = arith.constant 0 : i32
      %dma_wait3A_96 = tpu.memref_slice %arg8[%dma_wait3A_94, %dma_wait3A_95] : memref<96x48xf32, #tpu.memory_space<vmem>> -> memref<56x48xf32, #tpu.memory_space<vmem>>
      tpu.wait_dma2 semaphore(%run_scoped3A : memref<!tpu.dma_semaphore, #tpu.memory_space<semaphore_mem>>) src(%dma_wait3A_96 : memref<56x48xf32, #tpu.memory_space<vmem>>) dst(%dma_wait3A_93 : memref<56x48xf32, #tpu.memory_space<vmem_shared>>)
      tpu.yield
    }) : () -> ()
    %dma_wait3A = arith.constant 0 : i32
    %dma_wait3A_38 = arith.constant 0 : i32
    %dma_wait3A_39 = tpu.memref_slice %arg3[%add3A, %dma_wait3A, %dma_wait3A_38] : memref<32x106x96xi32, #tpu.memory_space<hbm>> -> memref<1x106x96xi32, #tpu.memory_space<hbm>>
    %dma_wait3A_40 = tpu.memref_squeeze %dma_wait3A_39 : memref<1x106x96xi32, #tpu.memory_space<hbm>> -> memref<106x96xi32, #tpu.memory_space<hbm>>
    %dma_wait3A_41 = arith.constant 0 : i32
    %dma_wait3A_42 = arith.constant 0 : i32
    %dma_wait3A_43 = tpu.memref_slice %arg3[%add3A, %dma_wait3A_41, %dma_wait3A_42] : memref<32x106x96xi32, #tpu.memory_space<hbm>> -> memref<1x106x96xi32, #tpu.memory_space<hbm>>
    %dma_wait3A_44 = tpu.memref_squeeze %dma_wait3A_43 : memref<1x106x96xi32, #tpu.memory_space<hbm>> -> memref<106x96xi32, #tpu.memory_space<hbm>>
    tpu.wait_dma2 semaphore(%arg15 : memref<!tpu.dma_semaphore, #tpu.memory_space<semaphore_mem>>) src(%dma_wait3A_44 : memref<106x96xi32, #tpu.memory_space<hbm>>) dst(%arg6 : memref<106x96xi32, #tpu.memory_space<vmem>>)
    %dma_wait3A_45 = arith.constant 0 : i32
    %dma_wait3A_46 = arith.constant 0 : i32
    %dma_wait3A_47 = tpu.memref_slice %arg4[%add3A, %dma_wait3A_45, %dma_wait3A_46] : memref<32x106x96xi32, #tpu.memory_space<hbm>> -> memref<1x106x96xi32, #tpu.memory_space<hbm>>
    %dma_wait3A_48 = tpu.memref_squeeze %dma_wait3A_47 : memref<1x106x96xi32, #tpu.memory_space<hbm>> -> memref<106x96xi32, #tpu.memory_space<hbm>>
    %dma_wait3A_49 = arith.constant 0 : i32
    %dma_wait3A_50 = arith.constant 0 : i32
    %dma_wait3A_51 = tpu.memref_slice %arg4[%add3A, %dma_wait3A_49, %dma_wait3A_50] : memref<32x106x96xi32, #tpu.memory_space<hbm>> -> memref<1x106x96xi32, #tpu.memory_space<hbm>>
    %dma_wait3A_52 = tpu.memref_squeeze %dma_wait3A_51 : memref<1x106x96xi32, #tpu.memory_space<hbm>> -> memref<106x96xi32, #tpu.memory_space<hbm>>
    tpu.wait_dma2 semaphore(%arg15 : memref<!tpu.dma_semaphore, #tpu.memory_space<semaphore_mem>>) src(%dma_wait3A_52 : memref<106x96xi32, #tpu.memory_space<hbm>>) dst(%arg7 : memref<106x96xi32, #tpu.memory_space<vmem>>)
    %barrier3A = arith.constant 0 : index
    tpu.barrier barrier_id(%barrier3A)
    %dma_start3A_53 = arith.constant 0 : i32
    %dma_start3A_54 = arith.constant 0 : i32
    %dma_start3A_55 = tpu.memref_slice %arg6[%dma_start3A_53, %dma_start3A_54] : memref<106x96xi32, #tpu.memory_space<vmem>> -> memref<1x96xi32, #tpu.memory_space<vmem>>
    %dma_start3A_56 = tpu.memref_squeeze %dma_start3A_55 : memref<1x96xi32, #tpu.memory_space<vmem>> -> memref<96xi32, #tpu.memory_space<vmem>>
    %dma_start3A_57 = arith.constant 0 : i32
    %dma_start3A_58 = arith.constant 0 : i32
    %dma_start3A_59 = tpu.memref_slice %arg2[%dma_start3A_57, %dma_start3A_58] : memref<10000x48xf32, #tpu.memory_space<hbm>> -> memref<10000x48xf32, #tpu.memory_space<hbm>>
    tpu.enqueue_indirect_dma source(%dma_start3A_59 : memref<10000x48xf32, #tpu.memory_space<hbm>>) target(%arg8 : memref<96x48xf32, #tpu.memory_space<vmem>>) offsets(%dma_start3A_56 : memref<96xi32, #tpu.memory_space<vmem>>) semaphore(%arg11 : memref<!tpu.dma_semaphore, #tpu.memory_space<semaphore_mem>>)
    %scan3A_60 = arith.constant 0 : i32
    %scan3A_61 = arith.constant 0 : i32
    %scan3A_62 = arith.constant 53 : i32
    %scan3A_63 = arith.addi %scan3A_61, %scan3A_62 : i32
    %scan3A_64 = arith.constant 1 : i32
    scf.for %scan3A_77 = %scan3A_61 to %scan3A_63 step %scan3A_64  : i32 {
      %mul3A_78 = arith.constant 2 : i32
      %mul3A_79 = arith.muli %scan3A_77, %mul3A_78 : i32
      %add3A_80 = arith.constant 0 : i32
      %add3A_81 = arith.addi %mul3A_79, %add3A_80 : i32
      %dma_wait3A_82 = arith.constant 0 : i32
      %dma_wait3A_83 = tpu.memref_slice %arg6[%add3A_81, %dma_wait3A_82] : memref<106x96xi32, #tpu.memory_space<vmem>> -> memref<1x96xi32, #tpu.memory_space<vmem>>
      %dma_wait3A_84 = tpu.memref_squeeze %dma_wait3A_83 : memref<1x96xi32, #tpu.memory_space<vmem>> -> memref<96xi32, #tpu.memory_space<vmem>>
      %dma_wait3A_85 = arith.constant 0 : i32
      %dma_wait3A_86 = arith.constant 0 : i32
      %dma_wait3A_87 = tpu.memref_slice %arg2[%dma_wait3A_85, %dma_wait3A_86] : memref<10000x48xf32, #tpu.memory_space<hbm>> -> memref<10000x48xf32, #tpu.memory_space<hbm>>
      tpu.wait_indirect_dma semaphore(%arg11 : memref<!tpu.dma_semaphore, #tpu.memory_space<semaphore_mem>>) src(%dma_wait3A_87 : memref<10000x48xf32, #tpu.memory_space<hbm>>) dst(%arg8 : memref<96x48xf32, #tpu.memory_space<vmem>>)
      %dma_start3A_88 = arith.constant 0 : i32
      %dma_start3A_89 = tpu.memref_slice %arg7[%add3A_81, %dma_start3A_88] : memref<106x96xi32, #tpu.memory_space<vmem>> -> memref<1x96xi32, #tpu.memory_space<vmem>>
      %dma_start3A_90 = tpu.memref_squeeze %dma_start3A_89 : memref<1x96xi32, #tpu.memory_space<vmem>> -> memref<96xi32, #tpu.memory_space<vmem>>
      %dma_start3A_91 = arith.constant 0 : i32
      %dma_start3A_92 = arith.constant 0 : i32
      %dma_start3A_93 = tpu.memref_slice %arg10[%dma_start3A_91, %dma_start3A_92] : memref<10112x48xf32, #tpu.memory_space<vmem_shared>> -> memref<10112x48xf32, #tpu.memory_space<vmem_shared>>
      tpu.enqueue_indirect_dma source(%arg8 : memref<96x48xf32, #tpu.memory_space<vmem>>) target(%dma_start3A_93 : memref<10112x48xf32, #tpu.memory_space<vmem_shared>>) offsets(%dma_start3A_90 : memref<96xi32, #tpu.memory_space<vmem>>) semaphore(%arg13 : memref<!tpu.dma_semaphore, #tpu.memory_space<semaphore_mem>>) {add = true}
      %ge3A = arith.constant 1 : i32
      %ge3A_94 = arith.cmpi sge, %add3A_81, %ge3A : i32
      %convert_element_type3A = arith.extui %ge3A_94 : i1 to i32
      %cond3A = arith.constant 0 : i32
      %cond3A_95 = arith.cmpi ne, %convert_element_type3A, %cond3A : i32
      scf.if %cond3A_95 {
        %sub3A = arith.constant 1 : i32
        %sub3A_130 = arith.subi %add3A_81, %sub3A : i32
        %dma_wait3A_131 = arith.constant 0 : i32
        %dma_wait3A_132 = tpu.memref_slice %arg7[%sub3A_130, %dma_wait3A_131] : memref<106x96xi32, #tpu.memory_space<vmem>> -> memref<1x96xi32, #tpu.memory_space<vmem>>
        %dma_wait3A_133 = tpu.memref_squeeze %dma_wait3A_132 : memref<1x96xi32, #tpu.memory_space<vmem>> -> memref<96xi32, #tpu.memory_space<vmem>>
        %dma_wait3A_134 = arith.constant 0 : i32
        %dma_wait3A_135 = arith.constant 0 : i32
        %dma_wait3A_136 = tpu.memref_slice %arg10[%dma_wait3A_134, %dma_wait3A_135] : memref<10112x48xf32, #tpu.memory_space<vmem_shared>> -> memref<10112x48xf32, #tpu.memory_space<vmem_shared>>
        tpu.wait_indirect_dma semaphore(%arg14 : memref<!tpu.dma_semaphore, #tpu.memory_space<semaphore_mem>>) src(%arg9 : memref<96x48xf32, #tpu.memory_space<vmem>>) dst(%dma_wait3A_136 : memref<10112x48xf32, #tpu.memory_space<vmem_shared>>)
      } else {
      }
      %add3A_96 = arith.constant 1 : i32
      %add3A_97 = arith.addi %add3A_81, %add3A_96 : i32
      %lt3A = arith.constant 106 : i32
      %lt3A_98 = arith.cmpi slt, %add3A_97, %lt3A : i32
      %convert_element_type3A_99 = arith.extui %lt3A_98 : i1 to i32
      %cond3A_100 = arith.constant 0 : i32
      %cond3A_101 = arith.cmpi ne, %convert_element_type3A_99, %cond3A_100 : i32
      scf.if %cond3A_101 {
        %add3A_130 = arith.constant 1 : i32
        %add3A_131 = arith.addi %add3A_81, %add3A_130 : i32
        %dma_start3A_132 = arith.constant 0 : i32
        %dma_start3A_133 = tpu.memref_slice %arg6[%add3A_131, %dma_start3A_132] : memref<106x96xi32, #tpu.memory_space<vmem>> -> memref<1x96xi32, #tpu.memory_space<vmem>>
        %dma_start3A_134 = tpu.memref_squeeze %dma_start3A_133 : memref<1x96xi32, #tpu.memory_space<vmem>> -> memref<96xi32, #tpu.memory_space<vmem>>
        %dma_start3A_135 = arith.constant 0 : i32
        %dma_start3A_136 = arith.constant 0 : i32
        %dma_start3A_137 = tpu.memref_slice %arg2[%dma_start3A_135, %dma_start3A_136] : memref<10000x48xf32, #tpu.memory_space<hbm>> -> memref<10000x48xf32, #tpu.memory_space<hbm>>
        tpu.enqueue_indirect_dma source(%dma_start3A_137 : memref<10000x48xf32, #tpu.memory_space<hbm>>) target(%arg9 : memref<96x48xf32, #tpu.memory_space<vmem>>) offsets(%dma_start3A_134 : memref<96xi32, #tpu.memory_space<vmem>>) semaphore(%arg12 : memref<!tpu.dma_semaphore, #tpu.memory_space<semaphore_mem>>)
      } else {
      }
      %mul3A_102 = arith.constant 2 : i32
      %mul3A_103 = arith.muli %scan3A_77, %mul3A_102 : i32
      %add3A_104 = arith.constant 1 : i32
      %add3A_105 = arith.addi %mul3A_103, %add3A_104 : i32
      %dma_wait3A_106 = arith.constant 0 : i32
      %dma_wait3A_107 = tpu.memref_slice %arg6[%add3A_105, %dma_wait3A_106] : memref<106x96xi32, #tpu.memory_space<vmem>> -> memref<1x96xi32, #tpu.memory_space<vmem>>
      %dma_wait3A_108 = tpu.memref_squeeze %dma_wait3A_107 : memref<1x96xi32, #tpu.memory_space<vmem>> -> memref<96xi32, #tpu.memory_space<vmem>>
      %dma_wait3A_109 = arith.constant 0 : i32
      %dma_wait3A_110 = arith.constant 0 : i32
      %dma_wait3A_111 = tpu.memref_slice %arg2[%dma_wait3A_109, %dma_wait3A_110] : memref<10000x48xf32, #tpu.memory_space<hbm>> -> memref<10000x48xf32, #tpu.memory_space<hbm>>
      tpu.wait_indirect_dma semaphore(%arg12 : memref<!tpu.dma_semaphore, #tpu.memory_space<semaphore_mem>>) src(%dma_wait3A_111 : memref<10000x48xf32, #tpu.memory_space<hbm>>) dst(%arg9 : memref<96x48xf32, #tpu.memory_space<vmem>>)
      %dma_start3A_112 = arith.constant 0 : i32
      %dma_start3A_113 = tpu.memref_slice %arg7[%add3A_105, %dma_start3A_112] : memref<106x96xi32, #tpu.memory_space<vmem>> -> memref<1x96xi32, #tpu.memory_space<vmem>>
      %dma_start3A_114 = tpu.memref_squeeze %dma_start3A_113 : memref<1x96xi32, #tpu.memory_space<vmem>> -> memref<96xi32, #tpu.memory_space<vmem>>
      %dma_start3A_115 = arith.constant 0 : i32
      %dma_start3A_116 = arith.constant 0 : i32
      %dma_start3A_117 = tpu.memref_slice %arg10[%dma_start3A_115, %dma_start3A_116] : memref<10112x48xf32, #tpu.memory_space<vmem_shared>> -> memref<10112x48xf32, #tpu.memory_space<vmem_shared>>
      tpu.enqueue_indirect_dma source(%arg9 : memref<96x48xf32, #tpu.memory_space<vmem>>) target(%dma_start3A_117 : memref<10112x48xf32, #tpu.memory_space<vmem_shared>>) offsets(%dma_start3A_114 : memref<96xi32, #tpu.memory_space<vmem>>) semaphore(%arg14 : memref<!tpu.dma_semaphore, #tpu.memory_space<semaphore_mem>>) {add = true}
      %ge3A_118 = arith.constant 1 : i32
      %ge3A_119 = arith.cmpi sge, %add3A_105, %ge3A_118 : i32
      %convert_element_type3A_120 = arith.extui %ge3A_119 : i1 to i32
      %cond3A_121 = arith.constant 0 : i32
      %cond3A_122 = arith.cmpi ne, %convert_element_type3A_120, %cond3A_121 : i32
      scf.if %cond3A_122 {
        %sub3A = arith.constant 1 : i32
        %sub3A_130 = arith.subi %add3A_105, %sub3A : i32
        %dma_wait3A_131 = arith.constant 0 : i32
        %dma_wait3A_132 = tpu.memref_slice %arg7[%sub3A_130, %dma_wait3A_131] : memref<106x96xi32, #tpu.memory_space<vmem>> -> memref<1x96xi32, #tpu.memory_space<vmem>>
        %dma_wait3A_133 = tpu.memref_squeeze %dma_wait3A_132 : memref<1x96xi32, #tpu.memory_space<vmem>> -> memref<96xi32, #tpu.memory_space<vmem>>
        %dma_wait3A_134 = arith.constant 0 : i32
        %dma_wait3A_135 = arith.constant 0 : i32
        %dma_wait3A_136 = tpu.memref_slice %arg10[%dma_wait3A_134, %dma_wait3A_135] : memref<10112x48xf32, #tpu.memory_space<vmem_shared>> -> memref<10112x48xf32, #tpu.memory_space<vmem_shared>>
        tpu.wait_indirect_dma semaphore(%arg13 : memref<!tpu.dma_semaphore, #tpu.memory_space<semaphore_mem>>) src(%arg8 : memref<96x48xf32, #tpu.memory_space<vmem>>) dst(%dma_wait3A_136 : memref<10112x48xf32, #tpu.memory_space<vmem_shared>>)
      } else {
      }
      %add3A_123 = arith.constant 1 : i32
      %add3A_124 = arith.addi %add3A_105, %add3A_123 : i32
      %lt3A_125 = arith.constant 106 : i32
      %lt3A_126 = arith.cmpi slt, %add3A_124, %lt3A_125 : i32
      %convert_element_type3A_127 = arith.extui %lt3A_126 : i1 to i32
      %cond3A_128 = arith.constant 0 : i32
      %cond3A_129 = arith.cmpi ne, %convert_element_type3A_127, %cond3A_128 : i32
      scf.if %cond3A_129 {
        %add3A_130 = arith.constant 1 : i32
        %add3A_131 = arith.addi %add3A_105, %add3A_130 : i32
        %dma_start3A_132 = arith.constant 0 : i32
        %dma_start3A_133 = tpu.memref_slice %arg6[%add3A_131, %dma_start3A_132] : memref<106x96xi32, #tpu.memory_space<vmem>> -> memref<1x96xi32, #tpu.memory_space<vmem>>
        %dma_start3A_134 = tpu.memref_squeeze %dma_start3A_133 : memref<1x96xi32, #tpu.memory_space<vmem>> -> memref<96xi32, #tpu.memory_space<vmem>>
        %dma_start3A_135 = arith.constant 0 : i32
        %dma_start3A_136 = arith.constant 0 : i32
        %dma_start3A_137 = tpu.memref_slice %arg2[%dma_start3A_135, %dma_start3A_136] : memref<10000x48xf32, #tpu.memory_space<hbm>> -> memref<10000x48xf32, #tpu.memory_space<hbm>>
        tpu.enqueue_indirect_dma source(%dma_start3A_137 : memref<10000x48xf32, #tpu.memory_space<hbm>>) target(%arg8 : memref<96x48xf32, #tpu.memory_space<vmem>>) offsets(%dma_start3A_134 : memref<96xi32, #tpu.memory_space<vmem>>) semaphore(%arg11 : memref<!tpu.dma_semaphore, #tpu.memory_space<semaphore_mem>>)
      } else {
      }
    }
    %scan3A_65 = arith.constant 53 : i32
    %dma_wait3A_66 = arith.constant 105 : i32
    %dma_wait3A_67 = arith.constant 0 : i32
    %dma_wait3A_68 = tpu.memref_slice %arg7[%dma_wait3A_66, %dma_wait3A_67] : memref<106x96xi32, #tpu.memory_space<vmem>> -> memref<1x96xi32, #tpu.memory_space<vmem>>
    %dma_wait3A_69 = tpu.memref_squeeze %dma_wait3A_68 : memref<1x96xi32, #tpu.memory_space<vmem>> -> memref<96xi32, #tpu.memory_space<vmem>>
    %dma_wait3A_70 = arith.constant 0 : i32
    %dma_wait3A_71 = arith.constant 0 : i32
    %dma_wait3A_72 = tpu.memref_slice %arg10[%dma_wait3A_70, %dma_wait3A_71] : memref<10112x48xf32, #tpu.memory_space<vmem_shared>> -> memref<10112x48xf32, #tpu.memory_space<vmem_shared>>
    tpu.wait_indirect_dma semaphore(%arg14 : memref<!tpu.dma_semaphore, #tpu.memory_space<semaphore_mem>>) src(%arg9 : memref<96x48xf32, #tpu.memory_space<vmem>>) dst(%dma_wait3A_72 : memref<10112x48xf32, #tpu.memory_space<vmem_shared>>)
    %barrier3A_73 = arith.constant 0 : index
    tpu.barrier barrier_id(%barrier3A_73)
    %mul3A_74 = arith.constant 10112 : i32
    %mul3A_75 = arith.muli %arg0, %mul3A_74 : i32
    %add3A_76 = arith.addi %mul3A_75, %mul3A_17 : i32
    "tpu.region"() ({
      %run_scoped3A = tpu.sem_alloc : memref<!tpu.dma_semaphore, #tpu.memory_space<semaphore_mem>>
      %dma_start3A_77 = arith.constant 0 : i32
      %dma_start3A_78 = tpu.memref_slice %arg5[%add3A_76, %dma_start3A_77] : memref<20224x48xf32, #tpu.memory_space<hbm>> -> memref<632x48xf32, #tpu.memory_space<hbm>>
      %dma_start3A_79 = arith.constant 0 : i32
      %dma_start3A_80 = tpu.memref_slice %arg10[%mul3A_17, %dma_start3A_79] : memref<10112x48xf32, #tpu.memory_space<vmem_shared>> -> memref<632x48xf32, #tpu.memory_space<vmem_shared>>
      tpu.enqueue_dma source(%dma_start3A_80 : memref<632x48xf32, #tpu.memory_space<vmem_shared>>) target(%dma_start3A_78 : memref<632x48xf32, #tpu.memory_space<hbm>>) target_semaphore(%run_scoped3A : memref<!tpu.dma_semaphore, #tpu.memory_space<semaphore_mem>>)
      %dma_wait3A_81 = arith.constant 0 : i32
      %dma_wait3A_82 = tpu.memref_slice %arg5[%add3A_76, %dma_wait3A_81] : memref<20224x48xf32, #tpu.memory_space<hbm>> -> memref<632x48xf32, #tpu.memory_space<hbm>>
      %dma_wait3A_83 = arith.constant 0 : i32
      %dma_wait3A_84 = tpu.memref_slice %arg10[%mul3A_17, %dma_wait3A_83] : memref<10112x48xf32, #tpu.memory_space<vmem_shared>> -> memref<632x48xf32, #tpu.memory_space<vmem_shared>>
      tpu.wait_dma2 semaphore(%run_scoped3A : memref<!tpu.dma_semaphore, #tpu.memory_space<semaphore_mem>>) src(%dma_wait3A_84 : memref<632x48xf32, #tpu.memory_space<vmem_shared>>) dst(%dma_wait3A_82 : memref<632x48xf32, #tpu.memory_space<hbm>>)
      tpu.yield
    }) : () -> ()
    return
  }
}

#map = affine_map<(d0, d1) -> (0, 0)>
#map1 = affine_map<(d0, d1) -> (0, 0, 0, 0)>
#map2 = affine_map<(d0, d1) -> (0, 0, 0)>
module attributes {stable_mosaic.version = 14 : i64} {
  func.func @spmm(%arg0: i32, %arg1: i32, %arg2: memref<20000x64xf32, #tpu.memory_space<hbm>>, %arg3: memref<2x16x160x128xi32, #tpu.memory_space<hbm>>, %arg4: memref<16x160x128xi32, #tpu.memory_space<hbm>>, %arg5: memref<20480x64xf32, #tpu.memory_space<hbm>>, %arg6: memref<160x128xi32, #tpu.memory_space<vmem>>, %arg7: memref<160x128xi32, #tpu.memory_space<vmem>>, %arg8: memref<128x64xf32, #tpu.memory_space<vmem>>, %arg9: memref<128x64xf32, #tpu.memory_space<vmem>>, %arg10: memref<10240x64xf32, #tpu.memory_space<vmem_shared>>, %arg11: memref<!tpu.dma_semaphore, #tpu.memory_space<semaphore_mem>>, %arg12: memref<!tpu.dma_semaphore, #tpu.memory_space<semaphore_mem>>, %arg13: memref<!tpu.dma_semaphore, #tpu.memory_space<semaphore_mem>>, %arg14: memref<!tpu.dma_semaphore, #tpu.memory_space<semaphore_mem>>, %arg15: memref<!tpu.dma_semaphore, #tpu.memory_space<semaphore_mem>>) attributes {dimension_semantics = [#tpu.dimension_semantics<core_parallel>, #tpu.dimension_semantics<subcore_parallel>], iteration_bounds = array<i64: 2, 16>, scalar_prefetch = 0 : i64, scratch_operands = 10 : i64, tpu.core_type = #tpu.core_type<sc_vector_subcore>, window_params = [{transform_indices = #map}, {transform_indices = #map1}, {transform_indices = #map2}, {transform_indices = #map}]} {
    %dma_start3A = arith.constant 0 : i32
    %dma_start3A_0 = arith.constant 0 : i32
    %dma_start3A_1 = tpu.memref_slice %arg3[%arg0, %arg1, %dma_start3A, %dma_start3A_0] : memref<2x16x160x128xi32, #tpu.memory_space<hbm>> -> memref<1x1x160x128xi32, #tpu.memory_space<hbm>>
    %dma_start3A_2 = tpu.memref_squeeze %dma_start3A_1 : memref<1x1x160x128xi32, #tpu.memory_space<hbm>> -> memref<160x128xi32, #tpu.memory_space<hbm>>
    %dma_start3A_3 = arith.constant 0 : i32
    %dma_start3A_4 = arith.constant 0 : i32
    %dma_start3A_5 = tpu.memref_slice %arg3[%arg0, %arg1, %dma_start3A_3, %dma_start3A_4] : memref<2x16x160x128xi32, #tpu.memory_space<hbm>> -> memref<1x1x160x128xi32, #tpu.memory_space<hbm>>
    %dma_start3A_6 = tpu.memref_squeeze %dma_start3A_5 : memref<1x1x160x128xi32, #tpu.memory_space<hbm>> -> memref<160x128xi32, #tpu.memory_space<hbm>>
    tpu.enqueue_dma source(%dma_start3A_6 : memref<160x128xi32, #tpu.memory_space<hbm>>) target(%arg6 : memref<160x128xi32, #tpu.memory_space<vmem>>) target_semaphore(%arg15 : memref<!tpu.dma_semaphore, #tpu.memory_space<semaphore_mem>>)
    %dma_start3A_7 = arith.constant 0 : i32
    %dma_start3A_8 = arith.constant 0 : i32
    %dma_start3A_9 = tpu.memref_slice %arg4[%arg1, %dma_start3A_7, %dma_start3A_8] : memref<16x160x128xi32, #tpu.memory_space<hbm>> -> memref<1x160x128xi32, #tpu.memory_space<hbm>>
    %dma_start3A_10 = tpu.memref_squeeze %dma_start3A_9 : memref<1x160x128xi32, #tpu.memory_space<hbm>> -> memref<160x128xi32, #tpu.memory_space<hbm>>
    %dma_start3A_11 = arith.constant 0 : i32
    %dma_start3A_12 = arith.constant 0 : i32
    %dma_start3A_13 = tpu.memref_slice %arg4[%arg1, %dma_start3A_11, %dma_start3A_12] : memref<16x160x128xi32, #tpu.memory_space<hbm>> -> memref<1x160x128xi32, #tpu.memory_space<hbm>>
    %dma_start3A_14 = tpu.memref_squeeze %dma_start3A_13 : memref<1x160x128xi32, #tpu.memory_space<hbm>> -> memref<160x128xi32, #tpu.memory_space<hbm>>
    tpu.enqueue_dma source(%dma_start3A_14 : memref<160x128xi32, #tpu.memory_space<hbm>>) target(%arg7 : memref<160x128xi32, #tpu.memory_space<vmem>>) target_semaphore(%arg15 : memref<!tpu.dma_semaphore, #tpu.memory_space<semaphore_mem>>)
    %mul3A = arith.constant 640 : i32
    %mul3A_15 = arith.muli %arg1, %mul3A : i32
    %broadcast_in_dim3A = arith.constant 0.000000e+00 : f32
    %broadcast_in_dim3A_16 = vector.broadcast %broadcast_in_dim3A : f32 to vector<16xf32>
    %scan3A = arith.constant 0 : i32
    %scan3A_17 = arith.constant 0 : i32
    %scan3A_18 = arith.constant 128 : i32
    %scan3A_19 = arith.addi %scan3A_17, %scan3A_18 : i32
    %scan3A_20 = arith.constant 1 : i32
    scf.for %scan3A_70 = %scan3A_17 to %scan3A_19 step %scan3A_20  : i32 {
      %swap3A = arith.index_cast %scan3A_70 : i32 to index
      %swap3A_71 = arith.constant 0 : index
      %swap3A_72 = tpu.vector_load %arg8[%swap3A, %swap3A_71] {strides = array<i32>} : memref<128x64xf32, #tpu.memory_space<vmem>>, vector<1x16xf32>,
      %swap3A_73 = vector.shape_cast %swap3A_72 : vector<1x16xf32> to vector<16xf32>
      %swap3A_74 = vector.shape_cast %broadcast_in_dim3A_16 : vector<16xf32> to vector<1x16xf32>
      tpu.vector_store %arg8[%swap3A, %swap3A_71], %swap3A_74 {strides = array<i32>} : memref<128x64xf32, #tpu.memory_space<vmem>>, vector<1x16xf32>,
      %swap3A_75 = arith.index_cast %scan3A_70 : i32 to index
      %swap3A_76 = arith.constant 16 : index
      %swap3A_77 = tpu.vector_load %arg8[%swap3A_75, %swap3A_76] {strides = array<i32>} : memref<128x64xf32, #tpu.memory_space<vmem>>, vector<1x16xf32>,
      %swap3A_78 = vector.shape_cast %swap3A_77 : vector<1x16xf32> to vector<16xf32>
      %swap3A_79 = vector.shape_cast %broadcast_in_dim3A_16 : vector<16xf32> to vector<1x16xf32>
      tpu.vector_store %arg8[%swap3A_75, %swap3A_76], %swap3A_79 {strides = array<i32>} : memref<128x64xf32, #tpu.memory_space<vmem>>, vector<1x16xf32>,
      %swap3A_80 = arith.index_cast %scan3A_70 : i32 to index
      %swap3A_81 = arith.constant 32 : index
      %swap3A_82 = tpu.vector_load %arg8[%swap3A_80, %swap3A_81] {strides = array<i32>} : memref<128x64xf32, #tpu.memory_space<vmem>>, vector<1x16xf32>,
      %swap3A_83 = vector.shape_cast %swap3A_82 : vector<1x16xf32> to vector<16xf32>
      %swap3A_84 = vector.shape_cast %broadcast_in_dim3A_16 : vector<16xf32> to vector<1x16xf32>
      tpu.vector_store %arg8[%swap3A_80, %swap3A_81], %swap3A_84 {strides = array<i32>} : memref<128x64xf32, #tpu.memory_space<vmem>>, vector<1x16xf32>,
      %swap3A_85 = arith.index_cast %scan3A_70 : i32 to index
      %swap3A_86 = arith.constant 48 : index
      %swap3A_87 = tpu.vector_load %arg8[%swap3A_85, %swap3A_86] {strides = array<i32>} : memref<128x64xf32, #tpu.memory_space<vmem>>, vector<1x16xf32>,
      %swap3A_88 = vector.shape_cast %swap3A_87 : vector<1x16xf32> to vector<16xf32>
      %swap3A_89 = vector.shape_cast %broadcast_in_dim3A_16 : vector<16xf32> to vector<1x16xf32>
      tpu.vector_store %arg8[%swap3A_85, %swap3A_86], %swap3A_89 {strides = array<i32>} : memref<128x64xf32, #tpu.memory_space<vmem>>, vector<1x16xf32>,
    }
    %scan3A_21 = arith.constant 128 : i32
    %add3A = arith.constant 0 : i32
    %add3A_22 = arith.addi %mul3A_15, %add3A : i32
    "tpu.region"() ({
      %run_scoped3A = tpu.sem_alloc : memref<!tpu.dma_semaphore, #tpu.memory_space<semaphore_mem>>
      %dma_start3A_70 = arith.constant 0 : i32
      %dma_start3A_71 = tpu.memref_slice %arg10[%add3A_22, %dma_start3A_70] : memref<10240x64xf32, #tpu.memory_space<vmem_shared>> -> memref<128x64xf32, #tpu.memory_space<vmem_shared>>
      %dma_start3A_72 = arith.constant 0 : i32
      %dma_start3A_73 = tpu.memref_slice %arg10[%add3A_22, %dma_start3A_72] : memref<10240x64xf32, #tpu.memory_space<vmem_shared>> -> memref<128x64xf32, #tpu.memory_space<vmem_shared>>
      tpu.enqueue_dma source(%arg8 : memref<128x64xf32, #tpu.memory_space<vmem>>) target(%dma_start3A_73 : memref<128x64xf32, #tpu.memory_space<vmem_shared>>) target_semaphore(%run_scoped3A : memref<!tpu.dma_semaphore, #tpu.memory_space<semaphore_mem>>)
      %dma_wait3A_74 = arith.constant 0 : i32
      %dma_wait3A_75 = tpu.memref_slice %arg10[%add3A_22, %dma_wait3A_74] : memref<10240x64xf32, #tpu.memory_space<vmem_shared>> -> memref<128x64xf32, #tpu.memory_space<vmem_shared>>
      %dma_wait3A_76 = arith.constant 0 : i32
      %dma_wait3A_77 = tpu.memref_slice %arg10[%add3A_22, %dma_wait3A_76] : memref<10240x64xf32, #tpu.memory_space<vmem_shared>> -> memref<128x64xf32, #tpu.memory_space<vmem_shared>>
      tpu.wait_dma2 semaphore(%run_scoped3A : memref<!tpu.dma_semaphore, #tpu.memory_space<semaphore_mem>>) src(%arg8 : memref<128x64xf32, #tpu.memory_space<vmem>>) dst(%dma_wait3A_77 : memref<128x64xf32, #tpu.memory_space<vmem_shared>>)
      tpu.yield
    }) : () -> ()
    %add3A_23 = arith.constant 128 : i32
    %add3A_24 = arith.addi %mul3A_15, %add3A_23 : i32
    "tpu.region"() ({
      %run_scoped3A = tpu.sem_alloc : memref<!tpu.dma_semaphore, #tpu.memory_space<semaphore_mem>>
      %dma_start3A_70 = arith.constant 0 : i32
      %dma_start3A_71 = tpu.memref_slice %arg10[%add3A_24, %dma_start3A_70] : memref<10240x64xf32, #tpu.memory_space<vmem_shared>> -> memref<128x64xf32, #tpu.memory_space<vmem_shared>>
      %dma_start3A_72 = arith.constant 0 : i32
      %dma_start3A_73 = tpu.memref_slice %arg10[%add3A_24, %dma_start3A_72] : memref<10240x64xf32, #tpu.memory_space<vmem_shared>> -> memref<128x64xf32, #tpu.memory_space<vmem_shared>>
      tpu.enqueue_dma source(%arg8 : memref<128x64xf32, #tpu.memory_space<vmem>>) target(%dma_start3A_73 : memref<128x64xf32, #tpu.memory_space<vmem_shared>>) target_semaphore(%run_scoped3A : memref<!tpu.dma_semaphore, #tpu.memory_space<semaphore_mem>>)
      %dma_wait3A_74 = arith.constant 0 : i32
      %dma_wait3A_75 = tpu.memref_slice %arg10[%add3A_24, %dma_wait3A_74] : memref<10240x64xf32, #tpu.memory_space<vmem_shared>> -> memref<128x64xf32, #tpu.memory_space<vmem_shared>>
      %dma_wait3A_76 = arith.constant 0 : i32
      %dma_wait3A_77 = tpu.memref_slice %arg10[%add3A_24, %dma_wait3A_76] : memref<10240x64xf32, #tpu.memory_space<vmem_shared>> -> memref<128x64xf32, #tpu.memory_space<vmem_shared>>
      tpu.wait_dma2 semaphore(%run_scoped3A : memref<!tpu.dma_semaphore, #tpu.memory_space<semaphore_mem>>) src(%arg8 : memref<128x64xf32, #tpu.memory_space<vmem>>) dst(%dma_wait3A_77 : memref<128x64xf32, #tpu.memory_space<vmem_shared>>)
      tpu.yield
    }) : () -> ()
    %add3A_25 = arith.constant 256 : i32
    %add3A_26 = arith.addi %mul3A_15, %add3A_25 : i32
    "tpu.region"() ({
      %run_scoped3A = tpu.sem_alloc : memref<!tpu.dma_semaphore, #tpu.memory_space<semaphore_mem>>
      %dma_start3A_70 = arith.constant 0 : i32
      %dma_start3A_71 = tpu.memref_slice %arg10[%add3A_26, %dma_start3A_70] : memref<10240x64xf32, #tpu.memory_space<vmem_shared>> -> memref<128x64xf32, #tpu.memory_space<vmem_shared>>
      %dma_start3A_72 = arith.constant 0 : i32
      %dma_start3A_73 = tpu.memref_slice %arg10[%add3A_26, %dma_start3A_72] : memref<10240x64xf32, #tpu.memory_space<vmem_shared>> -> memref<128x64xf32, #tpu.memory_space<vmem_shared>>
      tpu.enqueue_dma source(%arg8 : memref<128x64xf32, #tpu.memory_space<vmem>>) target(%dma_start3A_73 : memref<128x64xf32, #tpu.memory_space<vmem_shared>>) target_semaphore(%run_scoped3A : memref<!tpu.dma_semaphore, #tpu.memory_space<semaphore_mem>>)
      %dma_wait3A_74 = arith.constant 0 : i32
      %dma_wait3A_75 = tpu.memref_slice %arg10[%add3A_26, %dma_wait3A_74] : memref<10240x64xf32, #tpu.memory_space<vmem_shared>> -> memref<128x64xf32, #tpu.memory_space<vmem_shared>>
      %dma_wait3A_76 = arith.constant 0 : i32
      %dma_wait3A_77 = tpu.memref_slice %arg10[%add3A_26, %dma_wait3A_76] : memref<10240x64xf32, #tpu.memory_space<vmem_shared>> -> memref<128x64xf32, #tpu.memory_space<vmem_shared>>
      tpu.wait_dma2 semaphore(%run_scoped3A : memref<!tpu.dma_semaphore, #tpu.memory_space<semaphore_mem>>) src(%arg8 : memref<128x64xf32, #tpu.memory_space<vmem>>) dst(%dma_wait3A_77 : memref<128x64xf32, #tpu.memory_space<vmem_shared>>)
      tpu.yield
    }) : () -> ()
    %add3A_27 = arith.constant 384 : i32
    %add3A_28 = arith.addi %mul3A_15, %add3A_27 : i32
    "tpu.region"() ({
      %run_scoped3A = tpu.sem_alloc : memref<!tpu.dma_semaphore, #tpu.memory_space<semaphore_mem>>
      %dma_start3A_70 = arith.constant 0 : i32
      %dma_start3A_71 = tpu.memref_slice %arg10[%add3A_28, %dma_start3A_70] : memref<10240x64xf32, #tpu.memory_space<vmem_shared>> -> memref<128x64xf32, #tpu.memory_space<vmem_shared>>
      %dma_start3A_72 = arith.constant 0 : i32
      %dma_start3A_73 = tpu.memref_slice %arg10[%add3A_28, %dma_start3A_72] : memref<10240x64xf32, #tpu.memory_space<vmem_shared>> -> memref<128x64xf32, #tpu.memory_space<vmem_shared>>
      tpu.enqueue_dma source(%arg8 : memref<128x64xf32, #tpu.memory_space<vmem>>) target(%dma_start3A_73 : memref<128x64xf32, #tpu.memory_space<vmem_shared>>) target_semaphore(%run_scoped3A : memref<!tpu.dma_semaphore, #tpu.memory_space<semaphore_mem>>)
      %dma_wait3A_74 = arith.constant 0 : i32
      %dma_wait3A_75 = tpu.memref_slice %arg10[%add3A_28, %dma_wait3A_74] : memref<10240x64xf32, #tpu.memory_space<vmem_shared>> -> memref<128x64xf32, #tpu.memory_space<vmem_shared>>
      %dma_wait3A_76 = arith.constant 0 : i32
      %dma_wait3A_77 = tpu.memref_slice %arg10[%add3A_28, %dma_wait3A_76] : memref<10240x64xf32, #tpu.memory_space<vmem_shared>> -> memref<128x64xf32, #tpu.memory_space<vmem_shared>>
      tpu.wait_dma2 semaphore(%run_scoped3A : memref<!tpu.dma_semaphore, #tpu.memory_space<semaphore_mem>>) src(%arg8 : memref<128x64xf32, #tpu.memory_space<vmem>>) dst(%dma_wait3A_77 : memref<128x64xf32, #tpu.memory_space<vmem_shared>>)
      tpu.yield
    }) : () -> ()
    %add3A_29 = arith.constant 512 : i32
    %add3A_30 = arith.addi %mul3A_15, %add3A_29 : i32
    "tpu.region"() ({
      %run_scoped3A = tpu.sem_alloc : memref<!tpu.dma_semaphore, #tpu.memory_space<semaphore_mem>>
      %dma_start3A_70 = arith.constant 0 : i32
      %dma_start3A_71 = tpu.memref_slice %arg10[%add3A_30, %dma_start3A_70] : memref<10240x64xf32, #tpu.memory_space<vmem_shared>> -> memref<128x64xf32, #tpu.memory_space<vmem_shared>>
      %dma_start3A_72 = arith.constant 0 : i32
      %dma_start3A_73 = tpu.memref_slice %arg10[%add3A_30, %dma_start3A_72] : memref<10240x64xf32, #tpu.memory_space<vmem_shared>> -> memref<128x64xf32, #tpu.memory_space<vmem_shared>>
      tpu.enqueue_dma source(%arg8 : memref<128x64xf32, #tpu.memory_space<vmem>>) target(%dma_start3A_73 : memref<128x64xf32, #tpu.memory_space<vmem_shared>>) target_semaphore(%run_scoped3A : memref<!tpu.dma_semaphore, #tpu.memory_space<semaphore_mem>>)
      %dma_wait3A_74 = arith.constant 0 : i32
      %dma_wait3A_75 = tpu.memref_slice %arg10[%add3A_30, %dma_wait3A_74] : memref<10240x64xf32, #tpu.memory_space<vmem_shared>> -> memref<128x64xf32, #tpu.memory_space<vmem_shared>>
      %dma_wait3A_76 = arith.constant 0 : i32
      %dma_wait3A_77 = tpu.memref_slice %arg10[%add3A_30, %dma_wait3A_76] : memref<10240x64xf32, #tpu.memory_space<vmem_shared>> -> memref<128x64xf32, #tpu.memory_space<vmem_shared>>
      tpu.wait_dma2 semaphore(%run_scoped3A : memref<!tpu.dma_semaphore, #tpu.memory_space<semaphore_mem>>) src(%arg8 : memref<128x64xf32, #tpu.memory_space<vmem>>) dst(%dma_wait3A_77 : memref<128x64xf32, #tpu.memory_space<vmem_shared>>)
      tpu.yield
    }) : () -> ()
    %dma_wait3A = arith.constant 0 : i32
    %dma_wait3A_31 = arith.constant 0 : i32
    %dma_wait3A_32 = tpu.memref_slice %arg3[%arg0, %arg1, %dma_wait3A, %dma_wait3A_31] : memref<2x16x160x128xi32, #tpu.memory_space<hbm>> -> memref<1x1x160x128xi32, #tpu.memory_space<hbm>>
    %dma_wait3A_33 = tpu.memref_squeeze %dma_wait3A_32 : memref<1x1x160x128xi32, #tpu.memory_space<hbm>> -> memref<160x128xi32, #tpu.memory_space<hbm>>
    %dma_wait3A_34 = arith.constant 0 : i32
    %dma_wait3A_35 = arith.constant 0 : i32
    %dma_wait3A_36 = tpu.memref_slice %arg3[%arg0, %arg1, %dma_wait3A_34, %dma_wait3A_35] : memref<2x16x160x128xi32, #tpu.memory_space<hbm>> -> memref<1x1x160x128xi32, #tpu.memory_space<hbm>>
    %dma_wait3A_37 = tpu.memref_squeeze %dma_wait3A_36 : memref<1x1x160x128xi32, #tpu.memory_space<hbm>> -> memref<160x128xi32, #tpu.memory_space<hbm>>
    tpu.wait_dma2 semaphore(%arg15 : memref<!tpu.dma_semaphore, #tpu.memory_space<semaphore_mem>>) src(%dma_wait3A_37 : memref<160x128xi32, #tpu.memory_space<hbm>>) dst(%arg6 : memref<160x128xi32, #tpu.memory_space<vmem>>)
    %dma_wait3A_38 = arith.constant 0 : i32
    %dma_wait3A_39 = arith.constant 0 : i32
    %dma_wait3A_40 = tpu.memref_slice %arg4[%arg1, %dma_wait3A_38, %dma_wait3A_39] : memref<16x160x128xi32, #tpu.memory_space<hbm>> -> memref<1x160x128xi32, #tpu.memory_space<hbm>>
    %dma_wait3A_41 = tpu.memref_squeeze %dma_wait3A_40 : memref<1x160x128xi32, #tpu.memory_space<hbm>> -> memref<160x128xi32, #tpu.memory_space<hbm>>
    %dma_wait3A_42 = arith.constant 0 : i32
    %dma_wait3A_43 = arith.constant 0 : i32
    %dma_wait3A_44 = tpu.memref_slice %arg4[%arg1, %dma_wait3A_42, %dma_wait3A_43] : memref<16x160x128xi32, #tpu.memory_space<hbm>> -> memref<1x160x128xi32, #tpu.memory_space<hbm>>
    %dma_wait3A_45 = tpu.memref_squeeze %dma_wait3A_44 : memref<1x160x128xi32, #tpu.memory_space<hbm>> -> memref<160x128xi32, #tpu.memory_space<hbm>>
    tpu.wait_dma2 semaphore(%arg15 : memref<!tpu.dma_semaphore, #tpu.memory_space<semaphore_mem>>) src(%dma_wait3A_45 : memref<160x128xi32, #tpu.memory_space<hbm>>) dst(%arg7 : memref<160x128xi32, #tpu.memory_space<vmem>>)
    %barrier3A = arith.constant 0 : index
    tpu.barrier barrier_id(%barrier3A)
    %dma_start3A_46 = arith.constant 0 : i32
    %dma_start3A_47 = arith.constant 0 : i32
    %dma_start3A_48 = tpu.memref_slice %arg6[%dma_start3A_46, %dma_start3A_47] : memref<160x128xi32, #tpu.memory_space<vmem>> -> memref<1x128xi32, #tpu.memory_space<vmem>>
    %dma_start3A_49 = tpu.memref_squeeze %dma_start3A_48 : memref<1x128xi32, #tpu.memory_space<vmem>> -> memref<128xi32, #tpu.memory_space<vmem>>
    %dma_start3A_50 = arith.constant 0 : i32
    %dma_start3A_51 = arith.constant 0 : i32
    %dma_start3A_52 = tpu.memref_slice %arg2[%dma_start3A_50, %dma_start3A_51] : memref<20000x64xf32, #tpu.memory_space<hbm>> -> memref<20000x64xf32, #tpu.memory_space<hbm>>
    tpu.enqueue_indirect_dma source(%dma_start3A_52 : memref<20000x64xf32, #tpu.memory_space<hbm>>) target(%arg8 : memref<128x64xf32, #tpu.memory_space<vmem>>) offsets(%dma_start3A_49 : memref<128xi32, #tpu.memory_space<vmem>>) semaphore(%arg11 : memref<!tpu.dma_semaphore, #tpu.memory_space<semaphore_mem>>)
    %scan3A_53 = arith.constant 0 : i32
    %scan3A_54 = arith.constant 0 : i32
    %scan3A_55 = arith.constant 80 : i32
    %scan3A_56 = arith.addi %scan3A_54, %scan3A_55 : i32
    %scan3A_57 = arith.constant 1 : i32
    scf.for %scan3A_70 = %scan3A_54 to %scan3A_56 step %scan3A_57  : i32 {
      %mul3A_71 = arith.constant 2 : i32
      %mul3A_72 = arith.muli %scan3A_70, %mul3A_71 : i32
      %add3A_73 = arith.constant 0 : i32
      %add3A_74 = arith.addi %mul3A_72, %add3A_73 : i32
      %dma_wait3A_75 = arith.constant 0 : i32
      %dma_wait3A_76 = tpu.memref_slice %arg6[%add3A_74, %dma_wait3A_75] : memref<160x128xi32, #tpu.memory_space<vmem>> -> memref<1x128xi32, #tpu.memory_space<vmem>>
      %dma_wait3A_77 = tpu.memref_squeeze %dma_wait3A_76 : memref<1x128xi32, #tpu.memory_space<vmem>> -> memref<128xi32, #tpu.memory_space<vmem>>
      %dma_wait3A_78 = arith.constant 0 : i32
      %dma_wait3A_79 = arith.constant 0 : i32
      %dma_wait3A_80 = tpu.memref_slice %arg2[%dma_wait3A_78, %dma_wait3A_79] : memref<20000x64xf32, #tpu.memory_space<hbm>> -> memref<20000x64xf32, #tpu.memory_space<hbm>>
      tpu.wait_indirect_dma semaphore(%arg11 : memref<!tpu.dma_semaphore, #tpu.memory_space<semaphore_mem>>) src(%dma_wait3A_80 : memref<20000x64xf32, #tpu.memory_space<hbm>>) dst(%arg8 : memref<128x64xf32, #tpu.memory_space<vmem>>)
      %dma_start3A_81 = arith.constant 0 : i32
      %dma_start3A_82 = tpu.memref_slice %arg7[%add3A_74, %dma_start3A_81] : memref<160x128xi32, #tpu.memory_space<vmem>> -> memref<1x128xi32, #tpu.memory_space<vmem>>
      %dma_start3A_83 = tpu.memref_squeeze %dma_start3A_82 : memref<1x128xi32, #tpu.memory_space<vmem>> -> memref<128xi32, #tpu.memory_space<vmem>>
      %dma_start3A_84 = arith.constant 0 : i32
      %dma_start3A_85 = arith.constant 0 : i32
      %dma_start3A_86 = tpu.memref_slice %arg10[%dma_start3A_84, %dma_start3A_85] : memref<10240x64xf32, #tpu.memory_space<vmem_shared>> -> memref<10240x64xf32, #tpu.memory_space<vmem_shared>>
      tpu.enqueue_indirect_dma source(%arg8 : memref<128x64xf32, #tpu.memory_space<vmem>>) target(%dma_start3A_86 : memref<10240x64xf32, #tpu.memory_space<vmem_shared>>) offsets(%dma_start3A_83 : memref<128xi32, #tpu.memory_space<vmem>>) semaphore(%arg13 : memref<!tpu.dma_semaphore, #tpu.memory_space<semaphore_mem>>) {add = true}
      %ge3A = arith.constant 1 : i32
      %ge3A_87 = arith.cmpi sge, %add3A_74, %ge3A : i32
      %convert_element_type3A = arith.extui %ge3A_87 : i1 to i32
      %cond3A = arith.constant 0 : i32
      %cond3A_88 = arith.cmpi ne, %convert_element_type3A, %cond3A : i32
      scf.if %cond3A_88 {
        %sub3A = arith.constant 1 : i32
        %sub3A_123 = arith.subi %add3A_74, %sub3A : i32
        %dma_wait3A_124 = arith.constant 0 : i32
        %dma_wait3A_125 = tpu.memref_slice %arg7[%sub3A_123, %dma_wait3A_124] : memref<160x128xi32, #tpu.memory_space<vmem>> -> memref<1x128xi32, #tpu.memory_space<vmem>>
        %dma_wait3A_126 = tpu.memref_squeeze %dma_wait3A_125 : memref<1x128xi32, #tpu.memory_space<vmem>> -> memref<128xi32, #tpu.memory_space<vmem>>
        %dma_wait3A_127 = arith.constant 0 : i32
        %dma_wait3A_128 = arith.constant 0 : i32
        %dma_wait3A_129 = tpu.memref_slice %arg10[%dma_wait3A_127, %dma_wait3A_128] : memref<10240x64xf32, #tpu.memory_space<vmem_shared>> -> memref<10240x64xf32, #tpu.memory_space<vmem_shared>>
        tpu.wait_indirect_dma semaphore(%arg14 : memref<!tpu.dma_semaphore, #tpu.memory_space<semaphore_mem>>) src(%arg9 : memref<128x64xf32, #tpu.memory_space<vmem>>) dst(%dma_wait3A_129 : memref<10240x64xf32, #tpu.memory_space<vmem_shared>>)
      } else {
      }
      %add3A_89 = arith.constant 1 : i32
      %add3A_90 = arith.addi %add3A_74, %add3A_89 : i32
      %lt3A = arith.constant 160 : i32
      %lt3A_91 = arith.cmpi slt, %add3A_90, %lt3A : i32
      %convert_element_type3A_92 = arith.extui %lt3A_91 : i1 to i32
      %cond3A_93 = arith.constant 0 : i32
      %cond3A_94 = arith.cmpi ne, %convert_element_type3A_92, %cond3A_93 : i32
      scf.if %cond3A_94 {
        %add3A_123 = arith.constant 1 : i32
        %add3A_124 = arith.addi %add3A_74, %add3A_123 : i32
        %dma_start3A_125 = arith.constant 0 : i32
        %dma_start3A_126 = tpu.memref_slice %arg6[%add3A_124, %dma_start3A_125] : memref<160x128xi32, #tpu.memory_space<vmem>> -> memref<1x128xi32, #tpu.memory_space<vmem>>
        %dma_start3A_127 = tpu.memref_squeeze %dma_start3A_126 : memref<1x128xi32, #tpu.memory_space<vmem>> -> memref<128xi32, #tpu.memory_space<vmem>>
        %dma_start3A_128 = arith.constant 0 : i32
        %dma_start3A_129 = arith.constant 0 : i32
        %dma_start3A_130 = tpu.memref_slice %arg2[%dma_start3A_128, %dma_start3A_129] : memref<20000x64xf32, #tpu.memory_space<hbm>> -> memref<20000x64xf32, #tpu.memory_space<hbm>>
        tpu.enqueue_indirect_dma source(%dma_start3A_130 : memref<20000x64xf32, #tpu.memory_space<hbm>>) target(%arg9 : memref<128x64xf32, #tpu.memory_space<vmem>>) offsets(%dma_start3A_127 : memref<128xi32, #tpu.memory_space<vmem>>) semaphore(%arg12 : memref<!tpu.dma_semaphore, #tpu.memory_space<semaphore_mem>>)
      } else {
      }
      %mul3A_95 = arith.constant 2 : i32
      %mul3A_96 = arith.muli %scan3A_70, %mul3A_95 : i32
      %add3A_97 = arith.constant 1 : i32
      %add3A_98 = arith.addi %mul3A_96, %add3A_97 : i32
      %dma_wait3A_99 = arith.constant 0 : i32
      %dma_wait3A_100 = tpu.memref_slice %arg6[%add3A_98, %dma_wait3A_99] : memref<160x128xi32, #tpu.memory_space<vmem>> -> memref<1x128xi32, #tpu.memory_space<vmem>>
      %dma_wait3A_101 = tpu.memref_squeeze %dma_wait3A_100 : memref<1x128xi32, #tpu.memory_space<vmem>> -> memref<128xi32, #tpu.memory_space<vmem>>
      %dma_wait3A_102 = arith.constant 0 : i32
      %dma_wait3A_103 = arith.constant 0 : i32
      %dma_wait3A_104 = tpu.memref_slice %arg2[%dma_wait3A_102, %dma_wait3A_103] : memref<20000x64xf32, #tpu.memory_space<hbm>> -> memref<20000x64xf32, #tpu.memory_space<hbm>>
      tpu.wait_indirect_dma semaphore(%arg12 : memref<!tpu.dma_semaphore, #tpu.memory_space<semaphore_mem>>) src(%dma_wait3A_104 : memref<20000x64xf32, #tpu.memory_space<hbm>>) dst(%arg9 : memref<128x64xf32, #tpu.memory_space<vmem>>)
      %dma_start3A_105 = arith.constant 0 : i32
      %dma_start3A_106 = tpu.memref_slice %arg7[%add3A_98, %dma_start3A_105] : memref<160x128xi32, #tpu.memory_space<vmem>> -> memref<1x128xi32, #tpu.memory_space<vmem>>
      %dma_start3A_107 = tpu.memref_squeeze %dma_start3A_106 : memref<1x128xi32, #tpu.memory_space<vmem>> -> memref<128xi32, #tpu.memory_space<vmem>>
      %dma_start3A_108 = arith.constant 0 : i32
      %dma_start3A_109 = arith.constant 0 : i32
      %dma_start3A_110 = tpu.memref_slice %arg10[%dma_start3A_108, %dma_start3A_109] : memref<10240x64xf32, #tpu.memory_space<vmem_shared>> -> memref<10240x64xf32, #tpu.memory_space<vmem_shared>>
      tpu.enqueue_indirect_dma source(%arg9 : memref<128x64xf32, #tpu.memory_space<vmem>>) target(%dma_start3A_110 : memref<10240x64xf32, #tpu.memory_space<vmem_shared>>) offsets(%dma_start3A_107 : memref<128xi32, #tpu.memory_space<vmem>>) semaphore(%arg14 : memref<!tpu.dma_semaphore, #tpu.memory_space<semaphore_mem>>) {add = true}
      %ge3A_111 = arith.constant 1 : i32
      %ge3A_112 = arith.cmpi sge, %add3A_98, %ge3A_111 : i32
      %convert_element_type3A_113 = arith.extui %ge3A_112 : i1 to i32
      %cond3A_114 = arith.constant 0 : i32
      %cond3A_115 = arith.cmpi ne, %convert_element_type3A_113, %cond3A_114 : i32
      scf.if %cond3A_115 {
        %sub3A = arith.constant 1 : i32
        %sub3A_123 = arith.subi %add3A_98, %sub3A : i32
        %dma_wait3A_124 = arith.constant 0 : i32
        %dma_wait3A_125 = tpu.memref_slice %arg7[%sub3A_123, %dma_wait3A_124] : memref<160x128xi32, #tpu.memory_space<vmem>> -> memref<1x128xi32, #tpu.memory_space<vmem>>
        %dma_wait3A_126 = tpu.memref_squeeze %dma_wait3A_125 : memref<1x128xi32, #tpu.memory_space<vmem>> -> memref<128xi32, #tpu.memory_space<vmem>>
        %dma_wait3A_127 = arith.constant 0 : i32
        %dma_wait3A_128 = arith.constant 0 : i32
        %dma_wait3A_129 = tpu.memref_slice %arg10[%dma_wait3A_127, %dma_wait3A_128] : memref<10240x64xf32, #tpu.memory_space<vmem_shared>> -> memref<10240x64xf32, #tpu.memory_space<vmem_shared>>
        tpu.wait_indirect_dma semaphore(%arg13 : memref<!tpu.dma_semaphore, #tpu.memory_space<semaphore_mem>>) src(%arg8 : memref<128x64xf32, #tpu.memory_space<vmem>>) dst(%dma_wait3A_129 : memref<10240x64xf32, #tpu.memory_space<vmem_shared>>)
      } else {
      }
      %add3A_116 = arith.constant 1 : i32
      %add3A_117 = arith.addi %add3A_98, %add3A_116 : i32
      %lt3A_118 = arith.constant 160 : i32
      %lt3A_119 = arith.cmpi slt, %add3A_117, %lt3A_118 : i32
      %convert_element_type3A_120 = arith.extui %lt3A_119 : i1 to i32
      %cond3A_121 = arith.constant 0 : i32
      %cond3A_122 = arith.cmpi ne, %convert_element_type3A_120, %cond3A_121 : i32
      scf.if %cond3A_122 {
        %add3A_123 = arith.constant 1 : i32
        %add3A_124 = arith.addi %add3A_98, %add3A_123 : i32
        %dma_start3A_125 = arith.constant 0 : i32
        %dma_start3A_126 = tpu.memref_slice %arg6[%add3A_124, %dma_start3A_125] : memref<160x128xi32, #tpu.memory_space<vmem>> -> memref<1x128xi32, #tpu.memory_space<vmem>>
        %dma_start3A_127 = tpu.memref_squeeze %dma_start3A_126 : memref<1x128xi32, #tpu.memory_space<vmem>> -> memref<128xi32, #tpu.memory_space<vmem>>
        %dma_start3A_128 = arith.constant 0 : i32
        %dma_start3A_129 = arith.constant 0 : i32
        %dma_start3A_130 = tpu.memref_slice %arg2[%dma_start3A_128, %dma_start3A_129] : memref<20000x64xf32, #tpu.memory_space<hbm>> -> memref<20000x64xf32, #tpu.memory_space<hbm>>
        tpu.enqueue_indirect_dma source(%dma_start3A_130 : memref<20000x64xf32, #tpu.memory_space<hbm>>) target(%arg8 : memref<128x64xf32, #tpu.memory_space<vmem>>) offsets(%dma_start3A_127 : memref<128xi32, #tpu.memory_space<vmem>>) semaphore(%arg11 : memref<!tpu.dma_semaphore, #tpu.memory_space<semaphore_mem>>)
      } else {
      }
    }
    %scan3A_58 = arith.constant 80 : i32
    %dma_wait3A_59 = arith.constant 159 : i32
    %dma_wait3A_60 = arith.constant 0 : i32
    %dma_wait3A_61 = tpu.memref_slice %arg7[%dma_wait3A_59, %dma_wait3A_60] : memref<160x128xi32, #tpu.memory_space<vmem>> -> memref<1x128xi32, #tpu.memory_space<vmem>>
    %dma_wait3A_62 = tpu.memref_squeeze %dma_wait3A_61 : memref<1x128xi32, #tpu.memory_space<vmem>> -> memref<128xi32, #tpu.memory_space<vmem>>
    %dma_wait3A_63 = arith.constant 0 : i32
    %dma_wait3A_64 = arith.constant 0 : i32
    %dma_wait3A_65 = tpu.memref_slice %arg10[%dma_wait3A_63, %dma_wait3A_64] : memref<10240x64xf32, #tpu.memory_space<vmem_shared>> -> memref<10240x64xf32, #tpu.memory_space<vmem_shared>>
    tpu.wait_indirect_dma semaphore(%arg14 : memref<!tpu.dma_semaphore, #tpu.memory_space<semaphore_mem>>) src(%arg9 : memref<128x64xf32, #tpu.memory_space<vmem>>) dst(%dma_wait3A_65 : memref<10240x64xf32, #tpu.memory_space<vmem_shared>>)
    %barrier3A_66 = arith.constant 0 : index
    tpu.barrier barrier_id(%barrier3A_66)
    %mul3A_67 = arith.constant 10240 : i32
    %mul3A_68 = arith.muli %arg0, %mul3A_67 : i32
    %add3A_69 = arith.addi %mul3A_68, %mul3A_15 : i32
    "tpu.region"() ({
      %run_scoped3A = tpu.sem_alloc : memref<!tpu.dma_semaphore, #tpu.memory_space<semaphore_mem>>
      %dma_start3A_70 = arith.constant 0 : i32
      %dma_start3A_71 = tpu.memref_slice %arg5[%add3A_69, %dma_start3A_70] : memref<20480x64xf32, #tpu.memory_space<hbm>> -> memref<640x64xf32, #tpu.memory_space<hbm>>
      %dma_start3A_72 = arith.constant 0 : i32
      %dma_start3A_73 = tpu.memref_slice %arg10[%mul3A_15, %dma_start3A_72] : memref<10240x64xf32, #tpu.memory_space<vmem_shared>> -> memref<640x64xf32, #tpu.memory_space<vmem_shared>>
      tpu.enqueue_dma source(%dma_start3A_73 : memref<640x64xf32, #tpu.memory_space<vmem_shared>>) target(%dma_start3A_71 : memref<640x64xf32, #tpu.memory_space<hbm>>) target_semaphore(%run_scoped3A : memref<!tpu.dma_semaphore, #tpu.memory_space<semaphore_mem>>)
      %dma_wait3A_74 = arith.constant 0 : i32
      %dma_wait3A_75 = tpu.memref_slice %arg5[%add3A_69, %dma_wait3A_74] : memref<20480x64xf32, #tpu.memory_space<hbm>> -> memref<640x64xf32, #tpu.memory_space<hbm>>
      %dma_wait3A_76 = arith.constant 0 : i32
      %dma_wait3A_77 = tpu.memref_slice %arg10[%mul3A_15, %dma_wait3A_76] : memref<10240x64xf32, #tpu.memory_space<vmem_shared>> -> memref<640x64xf32, #tpu.memory_space<vmem_shared>>
      tpu.wait_dma2 semaphore(%run_scoped3A : memref<!tpu.dma_semaphore, #tpu.memory_space<semaphore_mem>>) src(%dma_wait3A_77 : memref<640x64xf32, #tpu.memory_space<vmem_shared>>) dst(%dma_wait3A_75 : memref<640x64xf32, #tpu.memory_space<hbm>>)
      tpu.yield
    }) : () -> ()
    return
  }
}

#map = affine_map<(d0, d1) -> (0, 0)>
#map1 = affine_map<(d0, d1) -> (0, 0, 0, 0)>
#map2 = affine_map<(d0, d1) -> (0, 0, 0)>
module attributes {stable_mosaic.version = 14 : i64} {
  func.func @spmm(%arg0: i32, %arg1: i32, %arg2: memref<20000x64xf32, #tpu.memory_space<hbm>>, %arg3: memref<2x16x160x128xi32, #tpu.memory_space<hbm>>, %arg4: memref<16x160x128xi32, #tpu.memory_space<hbm>>, %arg5: memref<20480x64xf32, #tpu.memory_space<hbm>>, %arg6: memref<160x128xi32, #tpu.memory_space<vmem>>, %arg7: memref<160x128xi32, #tpu.memory_space<vmem>>, %arg8: memref<128x64xf32, #tpu.memory_space<vmem>>, %arg9: memref<128x64xf32, #tpu.memory_space<vmem>>, %arg10: memref<10240x64xf32, #tpu.memory_space<vmem_shared>>, %arg11: memref<!tpu.dma_semaphore, #tpu.memory_space<semaphore_mem>>, %arg12: memref<!tpu.dma_semaphore, #tpu.memory_space<semaphore_mem>>, %arg13: memref<!tpu.dma_semaphore, #tpu.memory_space<semaphore_mem>>, %arg14: memref<!tpu.dma_semaphore, #tpu.memory_space<semaphore_mem>>, %arg15: memref<!tpu.dma_semaphore, #tpu.memory_space<semaphore_mem>>) attributes {dimension_semantics = [#tpu.dimension_semantics<core_parallel>, #tpu.dimension_semantics<subcore_parallel>], iteration_bounds = array<i64: 2, 16>, scalar_prefetch = 0 : i64, scratch_operands = 10 : i64, tpu.core_type = #tpu.core_type<sc_vector_subcore>, window_params = [{transform_indices = #map}, {transform_indices = #map1}, {transform_indices = #map2}, {transform_indices = #map}]} {
    %dma_start3A = arith.constant 0 : i32
    %dma_start3A_0 = arith.constant 0 : i32
    %dma_start3A_1 = tpu.memref_slice %arg3[%arg0, %arg1, %dma_start3A, %dma_start3A_0] : memref<2x16x160x128xi32, #tpu.memory_space<hbm>> -> memref<1x1x160x128xi32, #tpu.memory_space<hbm>>
    %dma_start3A_2 = tpu.memref_squeeze %dma_start3A_1 : memref<1x1x160x128xi32, #tpu.memory_space<hbm>> -> memref<160x128xi32, #tpu.memory_space<hbm>>
    %dma_start3A_3 = arith.constant 0 : i32
    %dma_start3A_4 = arith.constant 0 : i32
    %dma_start3A_5 = tpu.memref_slice %arg3[%arg0, %arg1, %dma_start3A_3, %dma_start3A_4] : memref<2x16x160x128xi32, #tpu.memory_space<hbm>> -> memref<1x1x160x128xi32, #tpu.memory_space<hbm>>
    %dma_start3A_6 = tpu.memref_squeeze %dma_start3A_5 : memref<1x1x160x128xi32, #tpu.memory_space<hbm>> -> memref<160x128xi32, #tpu.memory_space<hbm>>
    tpu.enqueue_dma source(%dma_start3A_6 : memref<160x128xi32, #tpu.memory_space<hbm>>) target(%arg6 : memref<160x128xi32, #tpu.memory_space<vmem>>) target_semaphore(%arg15 : memref<!tpu.dma_semaphore, #tpu.memory_space<semaphore_mem>>)
    %dma_start3A_7 = arith.constant 0 : i32
    %dma_start3A_8 = arith.constant 0 : i32
    %dma_start3A_9 = tpu.memref_slice %arg4[%arg1, %dma_start3A_7, %dma_start3A_8] : memref<16x160x128xi32, #tpu.memory_space<hbm>> -> memref<1x160x128xi32, #tpu.memory_space<hbm>>
    %dma_start3A_10 = tpu.memref_squeeze %dma_start3A_9 : memref<1x160x128xi32, #tpu.memory_space<hbm>> -> memref<160x128xi32, #tpu.memory_space<hbm>>
    %dma_start3A_11 = arith.constant 0 : i32
    %dma_start3A_12 = arith.constant 0 : i32
    %dma_start3A_13 = tpu.memref_slice %arg4[%arg1, %dma_start3A_11, %dma_start3A_12] : memref<16x160x128xi32, #tpu.memory_space<hbm>> -> memref<1x160x128xi32, #tpu.memory_space<hbm>>
    %dma_start3A_14 = tpu.memref_squeeze %dma_start3A_13 : memref<1x160x128xi32, #tpu.memory_space<hbm>> -> memref<160x128xi32, #tpu.memory_space<hbm>>
    tpu.enqueue_dma source(%dma_start3A_14 : memref<160x128xi32, #tpu.memory_space<hbm>>) target(%arg7 : memref<160x128xi32, #tpu.memory_space<vmem>>) target_semaphore(%arg15 : memref<!tpu.dma_semaphore, #tpu.memory_space<semaphore_mem>>)
    %mul3A = arith.constant 640 : i32
    %mul3A_15 = arith.muli %arg1, %mul3A : i32
    %broadcast_in_dim3A = arith.constant 0.000000e+00 : f32
    %broadcast_in_dim3A_16 = vector.broadcast %broadcast_in_dim3A : f32 to vector<16xf32>
    %scan3A = arith.constant 0 : i32
    %scan3A_17 = arith.constant 0 : i32
    %scan3A_18 = arith.constant 128 : i32
    %scan3A_19 = arith.addi %scan3A_17, %scan3A_18 : i32
    %scan3A_20 = arith.constant 1 : i32
    scf.for %scan3A_70 = %scan3A_17 to %scan3A_19 step %scan3A_20  : i32 {
      %swap3A = arith.index_cast %scan3A_70 : i32 to index
      %swap3A_71 = arith.constant 0 : index
      %swap3A_72 = tpu.vector_load %arg8[%swap3A, %swap3A_71] {strides = array<i32>} : memref<128x64xf32, #tpu.memory_space<vmem>>, vector<1x16xf32>,
      %swap3A_73 = vector.shape_cast %swap3A_72 : vector<1x16xf32> to vector<16xf32>
      %swap3A_74 = vector.shape_cast %broadcast_in_dim3A_16 : vector<16xf32> to vector<1x16xf32>
      tpu.vector_store %arg8[%swap3A, %swap3A_71], %swap3A_74 {strides = array<i32>} : memref<128x64xf32, #tpu.memory_space<vmem>>, vector<1x16xf32>,
      %swap3A_75 = arith.index_cast %scan3A_70 : i32 to index
      %swap3A_76 = arith.constant 16 : index
      %swap3A_77 = tpu.vector_load %arg8[%swap3A_75, %swap3A_76] {strides = array<i32>} : memref<128x64xf32, #tpu.memory_space<vmem>>, vector<1x16xf32>,
      %swap3A_78 = vector.shape_cast %swap3A_77 : vector<1x16xf32> to vector<16xf32>
      %swap3A_79 = vector.shape_cast %broadcast_in_dim3A_16 : vector<16xf32> to vector<1x16xf32>
      tpu.vector_store %arg8[%swap3A_75, %swap3A_76], %swap3A_79 {strides = array<i32>} : memref<128x64xf32, #tpu.memory_space<vmem>>, vector<1x16xf32>,
      %swap3A_80 = arith.index_cast %scan3A_70 : i32 to index
      %swap3A_81 = arith.constant 32 : index
      %swap3A_82 = tpu.vector_load %arg8[%swap3A_80, %swap3A_81] {strides = array<i32>} : memref<128x64xf32, #tpu.memory_space<vmem>>, vector<1x16xf32>,
      %swap3A_83 = vector.shape_cast %swap3A_82 : vector<1x16xf32> to vector<16xf32>
      %swap3A_84 = vector.shape_cast %broadcast_in_dim3A_16 : vector<16xf32> to vector<1x16xf32>
      tpu.vector_store %arg8[%swap3A_80, %swap3A_81], %swap3A_84 {strides = array<i32>} : memref<128x64xf32, #tpu.memory_space<vmem>>, vector<1x16xf32>,
      %swap3A_85 = arith.index_cast %scan3A_70 : i32 to index
      %swap3A_86 = arith.constant 48 : index
      %swap3A_87 = tpu.vector_load %arg8[%swap3A_85, %swap3A_86] {strides = array<i32>} : memref<128x64xf32, #tpu.memory_space<vmem>>, vector<1x16xf32>,
      %swap3A_88 = vector.shape_cast %swap3A_87 : vector<1x16xf32> to vector<16xf32>
      %swap3A_89 = vector.shape_cast %broadcast_in_dim3A_16 : vector<16xf32> to vector<1x16xf32>
      tpu.vector_store %arg8[%swap3A_85, %swap3A_86], %swap3A_89 {strides = array<i32>} : memref<128x64xf32, #tpu.memory_space<vmem>>, vector<1x16xf32>,
    }
    %scan3A_21 = arith.constant 128 : i32
    %add3A = arith.constant 0 : i32
    %add3A_22 = arith.addi %mul3A_15, %add3A : i32
    "tpu.region"() ({
      %run_scoped3A = tpu.sem_alloc : memref<!tpu.dma_semaphore, #tpu.memory_space<semaphore_mem>>
      %dma_start3A_70 = arith.constant 0 : i32
      %dma_start3A_71 = tpu.memref_slice %arg10[%add3A_22, %dma_start3A_70] : memref<10240x64xf32, #tpu.memory_space<vmem_shared>> -> memref<128x64xf32, #tpu.memory_space<vmem_shared>>
      %dma_start3A_72 = arith.constant 0 : i32
      %dma_start3A_73 = tpu.memref_slice %arg10[%add3A_22, %dma_start3A_72] : memref<10240x64xf32, #tpu.memory_space<vmem_shared>> -> memref<128x64xf32, #tpu.memory_space<vmem_shared>>
      tpu.enqueue_dma source(%arg8 : memref<128x64xf32, #tpu.memory_space<vmem>>) target(%dma_start3A_73 : memref<128x64xf32, #tpu.memory_space<vmem_shared>>) target_semaphore(%run_scoped3A : memref<!tpu.dma_semaphore, #tpu.memory_space<semaphore_mem>>)
      %dma_wait3A_74 = arith.constant 0 : i32
      %dma_wait3A_75 = tpu.memref_slice %arg10[%add3A_22, %dma_wait3A_74] : memref<10240x64xf32, #tpu.memory_space<vmem_shared>> -> memref<128x64xf32, #tpu.memory_space<vmem_shared>>
      %dma_wait3A_76 = arith.constant 0 : i32
      %dma_wait3A_77 = tpu.memref_slice %arg10[%add3A_22, %dma_wait3A_76] : memref<10240x64xf32, #tpu.memory_space<vmem_shared>> -> memref<128x64xf32, #tpu.memory_space<vmem_shared>>
      tpu.wait_dma2 semaphore(%run_scoped3A : memref<!tpu.dma_semaphore, #tpu.memory_space<semaphore_mem>>) src(%arg8 : memref<128x64xf32, #tpu.memory_space<vmem>>) dst(%dma_wait3A_77 : memref<128x64xf32, #tpu.memory_space<vmem_shared>>)
      tpu.yield
    }) : () -> ()
    %add3A_23 = arith.constant 128 : i32
    %add3A_24 = arith.addi %mul3A_15, %add3A_23 : i32
    "tpu.region"() ({
      %run_scoped3A = tpu.sem_alloc : memref<!tpu.dma_semaphore, #tpu.memory_space<semaphore_mem>>
      %dma_start3A_70 = arith.constant 0 : i32
      %dma_start3A_71 = tpu.memref_slice %arg10[%add3A_24, %dma_start3A_70] : memref<10240x64xf32, #tpu.memory_space<vmem_shared>> -> memref<128x64xf32, #tpu.memory_space<vmem_shared>>
      %dma_start3A_72 = arith.constant 0 : i32
      %dma_start3A_73 = tpu.memref_slice %arg10[%add3A_24, %dma_start3A_72] : memref<10240x64xf32, #tpu.memory_space<vmem_shared>> -> memref<128x64xf32, #tpu.memory_space<vmem_shared>>
      tpu.enqueue_dma source(%arg8 : memref<128x64xf32, #tpu.memory_space<vmem>>) target(%dma_start3A_73 : memref<128x64xf32, #tpu.memory_space<vmem_shared>>) target_semaphore(%run_scoped3A : memref<!tpu.dma_semaphore, #tpu.memory_space<semaphore_mem>>)
      %dma_wait3A_74 = arith.constant 0 : i32
      %dma_wait3A_75 = tpu.memref_slice %arg10[%add3A_24, %dma_wait3A_74] : memref<10240x64xf32, #tpu.memory_space<vmem_shared>> -> memref<128x64xf32, #tpu.memory_space<vmem_shared>>
      %dma_wait3A_76 = arith.constant 0 : i32
      %dma_wait3A_77 = tpu.memref_slice %arg10[%add3A_24, %dma_wait3A_76] : memref<10240x64xf32, #tpu.memory_space<vmem_shared>> -> memref<128x64xf32, #tpu.memory_space<vmem_shared>>
      tpu.wait_dma2 semaphore(%run_scoped3A : memref<!tpu.dma_semaphore, #tpu.memory_space<semaphore_mem>>) src(%arg8 : memref<128x64xf32, #tpu.memory_space<vmem>>) dst(%dma_wait3A_77 : memref<128x64xf32, #tpu.memory_space<vmem_shared>>)
      tpu.yield
    }) : () -> ()
    %add3A_25 = arith.constant 256 : i32
    %add3A_26 = arith.addi %mul3A_15, %add3A_25 : i32
    "tpu.region"() ({
      %run_scoped3A = tpu.sem_alloc : memref<!tpu.dma_semaphore, #tpu.memory_space<semaphore_mem>>
      %dma_start3A_70 = arith.constant 0 : i32
      %dma_start3A_71 = tpu.memref_slice %arg10[%add3A_26, %dma_start3A_70] : memref<10240x64xf32, #tpu.memory_space<vmem_shared>> -> memref<128x64xf32, #tpu.memory_space<vmem_shared>>
      %dma_start3A_72 = arith.constant 0 : i32
      %dma_start3A_73 = tpu.memref_slice %arg10[%add3A_26, %dma_start3A_72] : memref<10240x64xf32, #tpu.memory_space<vmem_shared>> -> memref<128x64xf32, #tpu.memory_space<vmem_shared>>
      tpu.enqueue_dma source(%arg8 : memref<128x64xf32, #tpu.memory_space<vmem>>) target(%dma_start3A_73 : memref<128x64xf32, #tpu.memory_space<vmem_shared>>) target_semaphore(%run_scoped3A : memref<!tpu.dma_semaphore, #tpu.memory_space<semaphore_mem>>)
      %dma_wait3A_74 = arith.constant 0 : i32
      %dma_wait3A_75 = tpu.memref_slice %arg10[%add3A_26, %dma_wait3A_74] : memref<10240x64xf32, #tpu.memory_space<vmem_shared>> -> memref<128x64xf32, #tpu.memory_space<vmem_shared>>
      %dma_wait3A_76 = arith.constant 0 : i32
      %dma_wait3A_77 = tpu.memref_slice %arg10[%add3A_26, %dma_wait3A_76] : memref<10240x64xf32, #tpu.memory_space<vmem_shared>> -> memref<128x64xf32, #tpu.memory_space<vmem_shared>>
      tpu.wait_dma2 semaphore(%run_scoped3A : memref<!tpu.dma_semaphore, #tpu.memory_space<semaphore_mem>>) src(%arg8 : memref<128x64xf32, #tpu.memory_space<vmem>>) dst(%dma_wait3A_77 : memref<128x64xf32, #tpu.memory_space<vmem_shared>>)
      tpu.yield
    }) : () -> ()
    %add3A_27 = arith.constant 384 : i32
    %add3A_28 = arith.addi %mul3A_15, %add3A_27 : i32
    "tpu.region"() ({
      %run_scoped3A = tpu.sem_alloc : memref<!tpu.dma_semaphore, #tpu.memory_space<semaphore_mem>>
      %dma_start3A_70 = arith.constant 0 : i32
      %dma_start3A_71 = tpu.memref_slice %arg10[%add3A_28, %dma_start3A_70] : memref<10240x64xf32, #tpu.memory_space<vmem_shared>> -> memref<128x64xf32, #tpu.memory_space<vmem_shared>>
      %dma_start3A_72 = arith.constant 0 : i32
      %dma_start3A_73 = tpu.memref_slice %arg10[%add3A_28, %dma_start3A_72] : memref<10240x64xf32, #tpu.memory_space<vmem_shared>> -> memref<128x64xf32, #tpu.memory_space<vmem_shared>>
      tpu.enqueue_dma source(%arg8 : memref<128x64xf32, #tpu.memory_space<vmem>>) target(%dma_start3A_73 : memref<128x64xf32, #tpu.memory_space<vmem_shared>>) target_semaphore(%run_scoped3A : memref<!tpu.dma_semaphore, #tpu.memory_space<semaphore_mem>>)
      %dma_wait3A_74 = arith.constant 0 : i32
      %dma_wait3A_75 = tpu.memref_slice %arg10[%add3A_28, %dma_wait3A_74] : memref<10240x64xf32, #tpu.memory_space<vmem_shared>> -> memref<128x64xf32, #tpu.memory_space<vmem_shared>>
      %dma_wait3A_76 = arith.constant 0 : i32
      %dma_wait3A_77 = tpu.memref_slice %arg10[%add3A_28, %dma_wait3A_76] : memref<10240x64xf32, #tpu.memory_space<vmem_shared>> -> memref<128x64xf32, #tpu.memory_space<vmem_shared>>
      tpu.wait_dma2 semaphore(%run_scoped3A : memref<!tpu.dma_semaphore, #tpu.memory_space<semaphore_mem>>) src(%arg8 : memref<128x64xf32, #tpu.memory_space<vmem>>) dst(%dma_wait3A_77 : memref<128x64xf32, #tpu.memory_space<vmem_shared>>)
      tpu.yield
    }) : () -> ()
    %add3A_29 = arith.constant 512 : i32
    %add3A_30 = arith.addi %mul3A_15, %add3A_29 : i32
    "tpu.region"() ({
      %run_scoped3A = tpu.sem_alloc : memref<!tpu.dma_semaphore, #tpu.memory_space<semaphore_mem>>
      %dma_start3A_70 = arith.constant 0 : i32
      %dma_start3A_71 = tpu.memref_slice %arg10[%add3A_30, %dma_start3A_70] : memref<10240x64xf32, #tpu.memory_space<vmem_shared>> -> memref<128x64xf32, #tpu.memory_space<vmem_shared>>
      %dma_start3A_72 = arith.constant 0 : i32
      %dma_start3A_73 = tpu.memref_slice %arg10[%add3A_30, %dma_start3A_72] : memref<10240x64xf32, #tpu.memory_space<vmem_shared>> -> memref<128x64xf32, #tpu.memory_space<vmem_shared>>
      tpu.enqueue_dma source(%arg8 : memref<128x64xf32, #tpu.memory_space<vmem>>) target(%dma_start3A_73 : memref<128x64xf32, #tpu.memory_space<vmem_shared>>) target_semaphore(%run_scoped3A : memref<!tpu.dma_semaphore, #tpu.memory_space<semaphore_mem>>)
      %dma_wait3A_74 = arith.constant 0 : i32
      %dma_wait3A_75 = tpu.memref_slice %arg10[%add3A_30, %dma_wait3A_74] : memref<10240x64xf32, #tpu.memory_space<vmem_shared>> -> memref<128x64xf32, #tpu.memory_space<vmem_shared>>
      %dma_wait3A_76 = arith.constant 0 : i32
      %dma_wait3A_77 = tpu.memref_slice %arg10[%add3A_30, %dma_wait3A_76] : memref<10240x64xf32, #tpu.memory_space<vmem_shared>> -> memref<128x64xf32, #tpu.memory_space<vmem_shared>>
      tpu.wait_dma2 semaphore(%run_scoped3A : memref<!tpu.dma_semaphore, #tpu.memory_space<semaphore_mem>>) src(%arg8 : memref<128x64xf32, #tpu.memory_space<vmem>>) dst(%dma_wait3A_77 : memref<128x64xf32, #tpu.memory_space<vmem_shared>>)
      tpu.yield
    }) : () -> ()
    %dma_wait3A = arith.constant 0 : i32
    %dma_wait3A_31 = arith.constant 0 : i32
    %dma_wait3A_32 = tpu.memref_slice %arg3[%arg0, %arg1, %dma_wait3A, %dma_wait3A_31] : memref<2x16x160x128xi32, #tpu.memory_space<hbm>> -> memref<1x1x160x128xi32, #tpu.memory_space<hbm>>
    %dma_wait3A_33 = tpu.memref_squeeze %dma_wait3A_32 : memref<1x1x160x128xi32, #tpu.memory_space<hbm>> -> memref<160x128xi32, #tpu.memory_space<hbm>>
    %dma_wait3A_34 = arith.constant 0 : i32
    %dma_wait3A_35 = arith.constant 0 : i32
    %dma_wait3A_36 = tpu.memref_slice %arg3[%arg0, %arg1, %dma_wait3A_34, %dma_wait3A_35] : memref<2x16x160x128xi32, #tpu.memory_space<hbm>> -> memref<1x1x160x128xi32, #tpu.memory_space<hbm>>
    %dma_wait3A_37 = tpu.memref_squeeze %dma_wait3A_36 : memref<1x1x160x128xi32, #tpu.memory_space<hbm>> -> memref<160x128xi32, #tpu.memory_space<hbm>>
    tpu.wait_dma2 semaphore(%arg15 : memref<!tpu.dma_semaphore, #tpu.memory_space<semaphore_mem>>) src(%dma_wait3A_37 : memref<160x128xi32, #tpu.memory_space<hbm>>) dst(%arg6 : memref<160x128xi32, #tpu.memory_space<vmem>>)
    %dma_wait3A_38 = arith.constant 0 : i32
    %dma_wait3A_39 = arith.constant 0 : i32
    %dma_wait3A_40 = tpu.memref_slice %arg4[%arg1, %dma_wait3A_38, %dma_wait3A_39] : memref<16x160x128xi32, #tpu.memory_space<hbm>> -> memref<1x160x128xi32, #tpu.memory_space<hbm>>
    %dma_wait3A_41 = tpu.memref_squeeze %dma_wait3A_40 : memref<1x160x128xi32, #tpu.memory_space<hbm>> -> memref<160x128xi32, #tpu.memory_space<hbm>>
    %dma_wait3A_42 = arith.constant 0 : i32
    %dma_wait3A_43 = arith.constant 0 : i32
    %dma_wait3A_44 = tpu.memref_slice %arg4[%arg1, %dma_wait3A_42, %dma_wait3A_43] : memref<16x160x128xi32, #tpu.memory_space<hbm>> -> memref<1x160x128xi32, #tpu.memory_space<hbm>>
    %dma_wait3A_45 = tpu.memref_squeeze %dma_wait3A_44 : memref<1x160x128xi32, #tpu.memory_space<hbm>> -> memref<160x128xi32, #tpu.memory_space<hbm>>
    tpu.wait_dma2 semaphore(%arg15 : memref<!tpu.dma_semaphore, #tpu.memory_space<semaphore_mem>>) src(%dma_wait3A_45 : memref<160x128xi32, #tpu.memory_space<hbm>>) dst(%arg7 : memref<160x128xi32, #tpu.memory_space<vmem>>)
    %barrier3A = arith.constant 0 : index
    tpu.barrier barrier_id(%barrier3A)
    %dma_start3A_46 = arith.constant 0 : i32
    %dma_start3A_47 = arith.constant 0 : i32
    %dma_start3A_48 = tpu.memref_slice %arg6[%dma_start3A_46, %dma_start3A_47] : memref<160x128xi32, #tpu.memory_space<vmem>> -> memref<1x128xi32, #tpu.memory_space<vmem>>
    %dma_start3A_49 = tpu.memref_squeeze %dma_start3A_48 : memref<1x128xi32, #tpu.memory_space<vmem>> -> memref<128xi32, #tpu.memory_space<vmem>>
    %dma_start3A_50 = arith.constant 0 : i32
    %dma_start3A_51 = arith.constant 0 : i32
    %dma_start3A_52 = tpu.memref_slice %arg2[%dma_start3A_50, %dma_start3A_51] : memref<20000x64xf32, #tpu.memory_space<hbm>> -> memref<20000x64xf32, #tpu.memory_space<hbm>>
    tpu.enqueue_indirect_dma source(%dma_start3A_52 : memref<20000x64xf32, #tpu.memory_space<hbm>>) target(%arg8 : memref<128x64xf32, #tpu.memory_space<vmem>>) offsets(%dma_start3A_49 : memref<128xi32, #tpu.memory_space<vmem>>) semaphore(%arg11 : memref<!tpu.dma_semaphore, #tpu.memory_space<semaphore_mem>>)
    %scan3A_53 = arith.constant 0 : i32
    %scan3A_54 = arith.constant 0 : i32
    %scan3A_55 = arith.constant 80 : i32
    %scan3A_56 = arith.addi %scan3A_54, %scan3A_55 : i32
    %scan3A_57 = arith.constant 1 : i32
    scf.for %scan3A_70 = %scan3A_54 to %scan3A_56 step %scan3A_57  : i32 {
      %mul3A_71 = arith.constant 2 : i32
      %mul3A_72 = arith.muli %scan3A_70, %mul3A_71 : i32
      %add3A_73 = arith.constant 0 : i32
      %add3A_74 = arith.addi %mul3A_72, %add3A_73 : i32
      %dma_wait3A_75 = arith.constant 0 : i32
      %dma_wait3A_76 = tpu.memref_slice %arg6[%add3A_74, %dma_wait3A_75] : memref<160x128xi32, #tpu.memory_space<vmem>> -> memref<1x128xi32, #tpu.memory_space<vmem>>
      %dma_wait3A_77 = tpu.memref_squeeze %dma_wait3A_76 : memref<1x128xi32, #tpu.memory_space<vmem>> -> memref<128xi32, #tpu.memory_space<vmem>>
      %dma_wait3A_78 = arith.constant 0 : i32
      %dma_wait3A_79 = arith.constant 0 : i32
      %dma_wait3A_80 = tpu.memref_slice %arg2[%dma_wait3A_78, %dma_wait3A_79] : memref<20000x64xf32, #tpu.memory_space<hbm>> -> memref<20000x64xf32, #tpu.memory_space<hbm>>
      tpu.wait_indirect_dma semaphore(%arg11 : memref<!tpu.dma_semaphore, #tpu.memory_space<semaphore_mem>>) src(%dma_wait3A_80 : memref<20000x64xf32, #tpu.memory_space<hbm>>) dst(%arg8 : memref<128x64xf32, #tpu.memory_space<vmem>>)
      %dma_start3A_81 = arith.constant 0 : i32
      %dma_start3A_82 = tpu.memref_slice %arg7[%add3A_74, %dma_start3A_81] : memref<160x128xi32, #tpu.memory_space<vmem>> -> memref<1x128xi32, #tpu.memory_space<vmem>>
      %dma_start3A_83 = tpu.memref_squeeze %dma_start3A_82 : memref<1x128xi32, #tpu.memory_space<vmem>> -> memref<128xi32, #tpu.memory_space<vmem>>
      %dma_start3A_84 = arith.constant 0 : i32
      %dma_start3A_85 = arith.constant 0 : i32
      %dma_start3A_86 = tpu.memref_slice %arg10[%dma_start3A_84, %dma_start3A_85] : memref<10240x64xf32, #tpu.memory_space<vmem_shared>> -> memref<10240x64xf32, #tpu.memory_space<vmem_shared>>
      tpu.enqueue_indirect_dma source(%arg8 : memref<128x64xf32, #tpu.memory_space<vmem>>) target(%dma_start3A_86 : memref<10240x64xf32, #tpu.memory_space<vmem_shared>>) offsets(%dma_start3A_83 : memref<128xi32, #tpu.memory_space<vmem>>) semaphore(%arg13 : memref<!tpu.dma_semaphore, #tpu.memory_space<semaphore_mem>>) {add = true}
      %ge3A = arith.constant 1 : i32
      %ge3A_87 = arith.cmpi sge, %add3A_74, %ge3A : i32
      %convert_element_type3A = arith.extui %ge3A_87 : i1 to i32
      %cond3A = arith.constant 0 : i32
      %cond3A_88 = arith.cmpi ne, %convert_element_type3A, %cond3A : i32
      scf.if %cond3A_88 {
        %sub3A = arith.constant 1 : i32
        %sub3A_123 = arith.subi %add3A_74, %sub3A : i32
        %dma_wait3A_124 = arith.constant 0 : i32
        %dma_wait3A_125 = tpu.memref_slice %arg7[%sub3A_123, %dma_wait3A_124] : memref<160x128xi32, #tpu.memory_space<vmem>> -> memref<1x128xi32, #tpu.memory_space<vmem>>
        %dma_wait3A_126 = tpu.memref_squeeze %dma_wait3A_125 : memref<1x128xi32, #tpu.memory_space<vmem>> -> memref<128xi32, #tpu.memory_space<vmem>>
        %dma_wait3A_127 = arith.constant 0 : i32
        %dma_wait3A_128 = arith.constant 0 : i32
        %dma_wait3A_129 = tpu.memref_slice %arg10[%dma_wait3A_127, %dma_wait3A_128] : memref<10240x64xf32, #tpu.memory_space<vmem_shared>> -> memref<10240x64xf32, #tpu.memory_space<vmem_shared>>
        tpu.wait_indirect_dma semaphore(%arg14 : memref<!tpu.dma_semaphore, #tpu.memory_space<semaphore_mem>>) src(%arg9 : memref<128x64xf32, #tpu.memory_space<vmem>>) dst(%dma_wait3A_129 : memref<10240x64xf32, #tpu.memory_space<vmem_shared>>)
      } else {
      }
      %add3A_89 = arith.constant 1 : i32
      %add3A_90 = arith.addi %add3A_74, %add3A_89 : i32
      %lt3A = arith.constant 160 : i32
      %lt3A_91 = arith.cmpi slt, %add3A_90, %lt3A : i32
      %convert_element_type3A_92 = arith.extui %lt3A_91 : i1 to i32
      %cond3A_93 = arith.constant 0 : i32
      %cond3A_94 = arith.cmpi ne, %convert_element_type3A_92, %cond3A_93 : i32
      scf.if %cond3A_94 {
        %add3A_123 = arith.constant 1 : i32
        %add3A_124 = arith.addi %add3A_74, %add3A_123 : i32
        %dma_start3A_125 = arith.constant 0 : i32
        %dma_start3A_126 = tpu.memref_slice %arg6[%add3A_124, %dma_start3A_125] : memref<160x128xi32, #tpu.memory_space<vmem>> -> memref<1x128xi32, #tpu.memory_space<vmem>>
        %dma_start3A_127 = tpu.memref_squeeze %dma_start3A_126 : memref<1x128xi32, #tpu.memory_space<vmem>> -> memref<128xi32, #tpu.memory_space<vmem>>
        %dma_start3A_128 = arith.constant 0 : i32
        %dma_start3A_129 = arith.constant 0 : i32
        %dma_start3A_130 = tpu.memref_slice %arg2[%dma_start3A_128, %dma_start3A_129] : memref<20000x64xf32, #tpu.memory_space<hbm>> -> memref<20000x64xf32, #tpu.memory_space<hbm>>
        tpu.enqueue_indirect_dma source(%dma_start3A_130 : memref<20000x64xf32, #tpu.memory_space<hbm>>) target(%arg9 : memref<128x64xf32, #tpu.memory_space<vmem>>) offsets(%dma_start3A_127 : memref<128xi32, #tpu.memory_space<vmem>>) semaphore(%arg12 : memref<!tpu.dma_semaphore, #tpu.memory_space<semaphore_mem>>)
      } else {
      }
      %mul3A_95 = arith.constant 2 : i32
      %mul3A_96 = arith.muli %scan3A_70, %mul3A_95 : i32
      %add3A_97 = arith.constant 1 : i32
      %add3A_98 = arith.addi %mul3A_96, %add3A_97 : i32
      %dma_wait3A_99 = arith.constant 0 : i32
      %dma_wait3A_100 = tpu.memref_slice %arg6[%add3A_98, %dma_wait3A_99] : memref<160x128xi32, #tpu.memory_space<vmem>> -> memref<1x128xi32, #tpu.memory_space<vmem>>
      %dma_wait3A_101 = tpu.memref_squeeze %dma_wait3A_100 : memref<1x128xi32, #tpu.memory_space<vmem>> -> memref<128xi32, #tpu.memory_space<vmem>>
      %dma_wait3A_102 = arith.constant 0 : i32
      %dma_wait3A_103 = arith.constant 0 : i32
      %dma_wait3A_104 = tpu.memref_slice %arg2[%dma_wait3A_102, %dma_wait3A_103] : memref<20000x64xf32, #tpu.memory_space<hbm>> -> memref<20000x64xf32, #tpu.memory_space<hbm>>
      tpu.wait_indirect_dma semaphore(%arg12 : memref<!tpu.dma_semaphore, #tpu.memory_space<semaphore_mem>>) src(%dma_wait3A_104 : memref<20000x64xf32, #tpu.memory_space<hbm>>) dst(%arg9 : memref<128x64xf32, #tpu.memory_space<vmem>>)
      %dma_start3A_105 = arith.constant 0 : i32
      %dma_start3A_106 = tpu.memref_slice %arg7[%add3A_98, %dma_start3A_105] : memref<160x128xi32, #tpu.memory_space<vmem>> -> memref<1x128xi32, #tpu.memory_space<vmem>>
      %dma_start3A_107 = tpu.memref_squeeze %dma_start3A_106 : memref<1x128xi32, #tpu.memory_space<vmem>> -> memref<128xi32, #tpu.memory_space<vmem>>
      %dma_start3A_108 = arith.constant 0 : i32
      %dma_start3A_109 = arith.constant 0 : i32
      %dma_start3A_110 = tpu.memref_slice %arg10[%dma_start3A_108, %dma_start3A_109] : memref<10240x64xf32, #tpu.memory_space<vmem_shared>> -> memref<10240x64xf32, #tpu.memory_space<vmem_shared>>
      tpu.enqueue_indirect_dma source(%arg9 : memref<128x64xf32, #tpu.memory_space<vmem>>) target(%dma_start3A_110 : memref<10240x64xf32, #tpu.memory_space<vmem_shared>>) offsets(%dma_start3A_107 : memref<128xi32, #tpu.memory_space<vmem>>) semaphore(%arg14 : memref<!tpu.dma_semaphore, #tpu.memory_space<semaphore_mem>>) {add = true}
      %ge3A_111 = arith.constant 1 : i32
      %ge3A_112 = arith.cmpi sge, %add3A_98, %ge3A_111 : i32
      %convert_element_type3A_113 = arith.extui %ge3A_112 : i1 to i32
      %cond3A_114 = arith.constant 0 : i32
      %cond3A_115 = arith.cmpi ne, %convert_element_type3A_113, %cond3A_114 : i32
      scf.if %cond3A_115 {
        %sub3A = arith.constant 1 : i32
        %sub3A_123 = arith.subi %add3A_98, %sub3A : i32
        %dma_wait3A_124 = arith.constant 0 : i32
        %dma_wait3A_125 = tpu.memref_slice %arg7[%sub3A_123, %dma_wait3A_124] : memref<160x128xi32, #tpu.memory_space<vmem>> -> memref<1x128xi32, #tpu.memory_space<vmem>>
        %dma_wait3A_126 = tpu.memref_squeeze %dma_wait3A_125 : memref<1x128xi32, #tpu.memory_space<vmem>> -> memref<128xi32, #tpu.memory_space<vmem>>
        %dma_wait3A_127 = arith.constant 0 : i32
        %dma_wait3A_128 = arith.constant 0 : i32
        %dma_wait3A_129 = tpu.memref_slice %arg10[%dma_wait3A_127, %dma_wait3A_128] : memref<10240x64xf32, #tpu.memory_space<vmem_shared>> -> memref<10240x64xf32, #tpu.memory_space<vmem_shared>>
        tpu.wait_indirect_dma semaphore(%arg13 : memref<!tpu.dma_semaphore, #tpu.memory_space<semaphore_mem>>) src(%arg8 : memref<128x64xf32, #tpu.memory_space<vmem>>) dst(%dma_wait3A_129 : memref<10240x64xf32, #tpu.memory_space<vmem_shared>>)
      } else {
      }
      %add3A_116 = arith.constant 1 : i32
      %add3A_117 = arith.addi %add3A_98, %add3A_116 : i32
      %lt3A_118 = arith.constant 160 : i32
      %lt3A_119 = arith.cmpi slt, %add3A_117, %lt3A_118 : i32
      %convert_element_type3A_120 = arith.extui %lt3A_119 : i1 to i32
      %cond3A_121 = arith.constant 0 : i32
      %cond3A_122 = arith.cmpi ne, %convert_element_type3A_120, %cond3A_121 : i32
      scf.if %cond3A_122 {
        %add3A_123 = arith.constant 1 : i32
        %add3A_124 = arith.addi %add3A_98, %add3A_123 : i32
        %dma_start3A_125 = arith.constant 0 : i32
        %dma_start3A_126 = tpu.memref_slice %arg6[%add3A_124, %dma_start3A_125] : memref<160x128xi32, #tpu.memory_space<vmem>> -> memref<1x128xi32, #tpu.memory_space<vmem>>
        %dma_start3A_127 = tpu.memref_squeeze %dma_start3A_126 : memref<1x128xi32, #tpu.memory_space<vmem>> -> memref<128xi32, #tpu.memory_space<vmem>>
        %dma_start3A_128 = arith.constant 0 : i32
        %dma_start3A_129 = arith.constant 0 : i32
        %dma_start3A_130 = tpu.memref_slice %arg2[%dma_start3A_128, %dma_start3A_129] : memref<20000x64xf32, #tpu.memory_space<hbm>> -> memref<20000x64xf32, #tpu.memory_space<hbm>>
        tpu.enqueue_indirect_dma source(%dma_start3A_130 : memref<20000x64xf32, #tpu.memory_space<hbm>>) target(%arg8 : memref<128x64xf32, #tpu.memory_space<vmem>>) offsets(%dma_start3A_127 : memref<128xi32, #tpu.memory_space<vmem>>) semaphore(%arg11 : memref<!tpu.dma_semaphore, #tpu.memory_space<semaphore_mem>>)
      } else {
      }
    }
    %scan3A_58 = arith.constant 80 : i32
    %dma_wait3A_59 = arith.constant 159 : i32
    %dma_wait3A_60 = arith.constant 0 : i32
    %dma_wait3A_61 = tpu.memref_slice %arg7[%dma_wait3A_59, %dma_wait3A_60] : memref<160x128xi32, #tpu.memory_space<vmem>> -> memref<1x128xi32, #tpu.memory_space<vmem>>
    %dma_wait3A_62 = tpu.memref_squeeze %dma_wait3A_61 : memref<1x128xi32, #tpu.memory_space<vmem>> -> memref<128xi32, #tpu.memory_space<vmem>>
    %dma_wait3A_63 = arith.constant 0 : i32
    %dma_wait3A_64 = arith.constant 0 : i32
    %dma_wait3A_65 = tpu.memref_slice %arg10[%dma_wait3A_63, %dma_wait3A_64] : memref<10240x64xf32, #tpu.memory_space<vmem_shared>> -> memref<10240x64xf32, #tpu.memory_space<vmem_shared>>
    tpu.wait_indirect_dma semaphore(%arg14 : memref<!tpu.dma_semaphore, #tpu.memory_space<semaphore_mem>>) src(%arg9 : memref<128x64xf32, #tpu.memory_space<vmem>>) dst(%dma_wait3A_65 : memref<10240x64xf32, #tpu.memory_space<vmem_shared>>)
    %barrier3A_66 = arith.constant 0 : index
    tpu.barrier barrier_id(%barrier3A_66)
    %mul3A_67 = arith.constant 10240 : i32
    %mul3A_68 = arith.muli %arg0, %mul3A_67 : i32
    %add3A_69 = arith.addi %mul3A_68, %mul3A_15 : i32
    "tpu.region"() ({
      %run_scoped3A = tpu.sem_alloc : memref<!tpu.dma_semaphore, #tpu.memory_space<semaphore_mem>>
      %dma_start3A_70 = arith.constant 0 : i32
      %dma_start3A_71 = tpu.memref_slice %arg5[%add3A_69, %dma_start3A_70] : memref<20480x64xf32, #tpu.memory_space<hbm>> -> memref<640x64xf32, #tpu.memory_space<hbm>>
      %dma_start3A_72 = arith.constant 0 : i32
      %dma_start3A_73 = tpu.memref_slice %arg10[%mul3A_15, %dma_start3A_72] : memref<10240x64xf32, #tpu.memory_space<vmem_shared>> -> memref<640x64xf32, #tpu.memory_space<vmem_shared>>
      tpu.enqueue_dma source(%dma_start3A_73 : memref<640x64xf32, #tpu.memory_space<vmem_shared>>) target(%dma_start3A_71 : memref<640x64xf32, #tpu.memory_space<hbm>>) target_semaphore(%run_scoped3A : memref<!tpu.dma_semaphore, #tpu.memory_space<semaphore_mem>>)
      %dma_wait3A_74 = arith.constant 0 : i32
      %dma_wait3A_75 = tpu.memref_slice %arg5[%add3A_69, %dma_wait3A_74] : memref<20480x64xf32, #tpu.memory_space<hbm>> -> memref<640x64xf32, #tpu.memory_space<hbm>>
      %dma_wait3A_76 = arith.constant 0 : i32
      %dma_wait3A_77 = tpu.memref_slice %arg10[%mul3A_15, %dma_wait3A_76] : memref<10240x64xf32, #tpu.memory_space<vmem_shared>> -> memref<640x64xf32, #tpu.memory_space<vmem_shared>>
      tpu.wait_dma2 semaphore(%run_scoped3A : memref<!tpu.dma_semaphore, #tpu.memory_space<semaphore_mem>>) src(%dma_wait3A_77 : memref<640x64xf32, #tpu.memory_space<vmem_shared>>) dst(%dma_wait3A_75 : memref<640x64xf32, #tpu.memory_space<hbm>>)
      tpu.yield
    }) : () -> ()
    return
  }
}

module attributes {stable_mosaic.version = 14 : i64} {
  func.func @kern(%arg0: i32, %arg1: i32, %arg2: memref<1000x128xf32, #tpu.memory_space<vmem>>, %arg3: memref<1x128x64xf32, #tpu.memory_space<vmem>>, %arg4: memref<1x1000x64xf32, #tpu.memory_space<vmem>>) attributes {dimension_semantics = [#tpu.dimension_semantics<arbitrary>, #tpu.dimension_semantics<arbitrary>], iteration_bounds = array<i64: 10, 2>, scalar_prefetch = 0 : i64, scratch_operands = 0 : i64, tpu.core_type = #tpu.core_type<tc>, window_params = [{transform_indices = @transform_0, window_bounds = array<i64: 1000, 128>}, {transform_indices = @transform_1, window_bounds = array<i64: 1, 128, 64>}, {transform_indices = @transform_2, window_bounds = array<i64: 1, 1000, 64>}]} {
    %get3A = arith.constant 0 : index
    %get3A_0 = arith.constant 0 : index
    %get3A_1 = vector.load %arg2[%get3A, %get3A_0] : memref<1000x128xf32, #tpu.memory_space<vmem>>, vector<1000x128xf32>
    %get3A_2 = arith.constant 0 : index
    %get3A_3 = arith.constant 0 : index
    %get3A_4 = arith.constant 0 : index
    %get3A_5 = vector.load %arg3[%get3A_2, %get3A_3, %get3A_4] : memref<1x128x64xf32, #tpu.memory_space<vmem>>, vector<1x128x64xf32>
    %get3A_6 = vector.shape_cast %get3A_5 : vector<1x128x64xf32> to vector<128x64xf32>
    %dot_general3A = arith.constant dense<0.000000e+00> : vector<1000x64xf32>
    %dot_general3A_7 = tpu.matmul %get3A_1, %get3A_6, %dot_general3A {dimension_numbers = #tpu.dot_dimension_numbers<[1], [0], [0], [1], [0, 0, 1, 1], [], []>, transpose_lhs_hint = false} : vector<1000x128xf32>, vector<128x64xf32>, vector<1000x64xf32> -> vector<1000x64xf32>
    %broadcast_in_dim3A = vector.shape_cast %dot_general3A_7 : vector<1000x64xf32> to vector<1x1000x64xf32>
    %swap3A = arith.constant 0 : index
    %swap3A_8 = arith.constant 0 : index
    %swap3A_9 = arith.constant 0 : index
    %swap3A_10 = vector.load %arg4[%swap3A, %swap3A_8, %swap3A_9] : memref<1x1000x64xf32, #tpu.memory_space<vmem>>, vector<1x1000x64xf32>
    tpu.vector_store %arg4[%swap3A, %swap3A_8, %swap3A_9], %broadcast_in_dim3A {strides = array<i32>} : memref<1x1000x64xf32, #tpu.memory_space<vmem>>, vector<1x1000x64xf32>,
    return
  }
  func.func @transform_0(%arg0: i32, %arg1: i32) -> (i32, i32) {
    %c0_i32 = arith.constant 0 : i32
    %c0_i32_0 = arith.constant 0 : i32
    return %arg0, %c0_i32 : i32, i32
  }
  func.func @transform_1(%arg0: i32, %arg1: i32) -> (i32, i32, i32) {
    %c0_i32 = arith.constant 0 : i32
    %c0_i32_0 = arith.constant 0 : i32
    %c0_i32_1 = arith.constant 0 : i32
    return %arg1, %c0_i32, %c0_i32_0 : i32, i32, i32
  }
  func.func @transform_2(%arg0: i32, %arg1: i32) -> (i32, i32, i32) {
    %c0_i32 = arith.constant 0 : i32
    %c0_i32_0 = arith.constant 0 : i32
    return %arg1, %arg0, %c0_i32 : i32, i32, i32
  }
}

module attributes {stable_mosaic.version = 14 : i64} {
  func.func @kern(%arg0: i32, %arg1: i32, %arg2: memref<1000x64xf32, #tpu.memory_space<vmem>>, %arg3: memref<1000x64xf32, #tpu.memory_space<vmem>>, %arg4: memref<1x128xf32, #tpu.memory_space<vmem>>, %arg5: memref<1x128x64xf32, #tpu.memory_space<vmem>>, %arg6: memref<1x1000x64xf32, #tpu.memory_space<vmem>>) attributes {dimension_semantics = [#tpu.dimension_semantics<arbitrary>, #tpu.dimension_semantics<arbitrary>], iteration_bounds = array<i64: 10, 2>, scalar_prefetch = 0 : i64, scratch_operands = 0 : i64, tpu.core_type = #tpu.core_type<tc>, window_params = [{transform_indices = @transform_0, window_bounds = array<i64: 1000, 64>}, {transform_indices = @transform_1, window_bounds = array<i64: 1000, 64>}, {pipeline_mode = #tpu.pipeline_mode<synchronous>, transform_indices = @transform_2, window_bounds = array<i64: 1, 128>}, {transform_indices = @transform_3, window_bounds = array<i64: 1, 128, 64>}, {transform_indices = @transform_4, window_bounds = array<i64: 1, 1000, 64>}]} {
    %get3A = arith.constant 0 : index
    %get3A_0 = arith.constant 0 : index
    %get3A_1 = vector.load %arg2[%get3A, %get3A_0] : memref<1000x64xf32, #tpu.memory_space<vmem>>, vector<1000x64xf32>
    %get3A_2 = arith.constant 0 : index
    %get3A_3 = arith.constant 0 : index
    %get3A_4 = vector.load %arg3[%get3A_2, %get3A_3] : memref<1000x64xf32, #tpu.memory_space<vmem>>, vector<1000x64xf32>
    %concatenate3A = tpu.concatenate %get3A_1, %get3A_4 in 1 : vector<1000x64xf32>, vector<1000x64xf32> -> vector<1000x128xf32>
    %get3A_5 = arith.constant 0 : index
    %get3A_6 = arith.constant 0 : index
    %get3A_7 = vector.load %arg4[%get3A_5, %get3A_6] : memref<1x128xf32, #tpu.memory_space<vmem>>, vector<1x128xf32>
    %add3A = vector.broadcast %get3A_7 : vector<1x128xf32> to vector<1000x128xf32>
    %add3A_8 = arith.addf %concatenate3A, %add3A : vector<1000x128xf32>
    %max3A = arith.constant 0.000000e+00 : f32
    %max3A_9 = vector.broadcast %max3A : f32 to vector<1000x128xf32>
    %max3A_10 = arith.maximumf %add3A_8, %max3A_9 : vector<1000x128xf32>
    %get3A_11 = arith.constant 0 : index
    %get3A_12 = arith.constant 0 : index
    %get3A_13 = arith.constant 0 : index
    %get3A_14 = vector.load %arg5[%get3A_11, %get3A_12, %get3A_13] : memref<1x128x64xf32, #tpu.memory_space<vmem>>, vector<1x128x64xf32>
    %get3A_15 = vector.shape_cast %get3A_14 : vector<1x128x64xf32> to vector<128x64xf32>
    %dot_general3A = arith.constant dense<0.000000e+00> : vector<1000x64xf32>
    %dot_general3A_16 = tpu.matmul %max3A_10, %get3A_15, %dot_general3A {dimension_numbers = #tpu.dot_dimension_numbers<[1], [0], [0], [1], [0, 0, 1, 1], [], []>, transpose_lhs_hint = false} : vector<1000x128xf32>, vector<128x64xf32>, vector<1000x64xf32> -> vector<1000x64xf32>
    %broadcast_in_dim3A = vector.shape_cast %dot_general3A_16 : vector<1000x64xf32> to vector<1x1000x64xf32>
    %swap3A = arith.constant 0 : index
    %swap3A_17 = arith.constant 0 : index
    %swap3A_18 = arith.constant 0 : index
    %swap3A_19 = vector.load %arg6[%swap3A, %swap3A_17, %swap3A_18] : memref<1x1000x64xf32, #tpu.memory_space<vmem>>, vector<1x1000x64xf32>
    tpu.vector_store %arg6[%swap3A, %swap3A_17, %swap3A_18], %broadcast_in_dim3A {strides = array<i32>} : memref<1x1000x64xf32, #tpu.memory_space<vmem>>, vector<1x1000x64xf32>,
    return
  }
  func.func @transform_0(%arg0: i32, %arg1: i32) -> (i32, i32) {
    %c0_i32 = arith.constant 0 : i32
    %c0_i32_0 = arith.constant 0 : i32
    return %arg0, %c0_i32 : i32, i32
  }
  func.func @transform_1(%arg0: i32, %arg1: i32) -> (i32, i32) {
    %c0_i32 = arith.constant 0 : i32
    %c0_i32_0 = arith.constant 0 : i32
    return %arg0, %c0_i32 : i32, i32
  }
  func.func @transform_2(%arg0: i32, %arg1: i32) -> (i32, i32) {
    %c0_i32 = arith.constant 0 : i32
    %c0_i32_0 = arith.constant 0 : i32
    %c0_i32_1 = arith.constant 0 : i32
    return %c0_i32, %c0_i32_0 : i32, i32
  }
  func.func @transform_3(%arg0: i32, %arg1: i32) -> (i32, i32, i32) {
    %c0_i32 = arith.constant 0 : i32
    %c0_i32_0 = arith.constant 0 : i32
    %c0_i32_1 = arith.constant 0 : i32
    return %arg1, %c0_i32, %c0_i32_0 : i32, i32, i32
  }
  func.func @transform_4(%arg0: i32, %arg1: i32) -> (i32, i32, i32) {
    %c0_i32 = arith.constant 0 : i32
    %c0_i32_0 = arith.constant 0 : i32
    return %arg1, %arg0, %c0_i32 : i32, i32, i32
  }
}

module attributes {stable_mosaic.version = 14 : i64} {
  func.func @kern(%arg0: i32, %arg1: memref<1000x64xf32, #tpu.memory_space<vmem>>, %arg2: memref<1000x64xf32, #tpu.memory_space<vmem>>, %arg3: memref<1x128xf32, #tpu.memory_space<vmem>>, %arg4: memref<128x48xf32, #tpu.memory_space<vmem>>, %arg5: memref<1000x48xf32, #tpu.memory_space<vmem>>) attributes {dimension_semantics = [#tpu.dimension_semantics<arbitrary>], iteration_bounds = array<i64: 10>, scalar_prefetch = 0 : i64, scratch_operands = 0 : i64, tpu.core_type = #tpu.core_type<tc>, window_params = [{transform_indices = @transform_0, window_bounds = array<i64: 1000, 64>}, {transform_indices = @transform_1, window_bounds = array<i64: 1000, 64>}, {pipeline_mode = #tpu.pipeline_mode<synchronous>, transform_indices = @transform_2, window_bounds = array<i64: 1, 128>}, {pipeline_mode = #tpu.pipeline_mode<synchronous>, transform_indices = @transform_3, window_bounds = array<i64: 128, 48>}, {transform_indices = @transform_4, window_bounds = array<i64: 1000, 48>}]} {
    %get3A = arith.constant 0 : index
    %get3A_0 = arith.constant 0 : index
    %get3A_1 = vector.load %arg1[%get3A, %get3A_0] : memref<1000x64xf32, #tpu.memory_space<vmem>>, vector<1000x64xf32>
    %get3A_2 = arith.constant 0 : index
    %get3A_3 = arith.constant 0 : index
    %get3A_4 = vector.load %arg2[%get3A_2, %get3A_3] : memref<1000x64xf32, #tpu.memory_space<vmem>>, vector<1000x64xf32>
    %concatenate3A = tpu.concatenate %get3A_1, %get3A_4 in 1 : vector<1000x64xf32>, vector<1000x64xf32> -> vector<1000x128xf32>
    %get3A_5 = arith.constant 0 : index
    %get3A_6 = arith.constant 0 : index
    %get3A_7 = vector.load %arg3[%get3A_5, %get3A_6] : memref<1x128xf32, #tpu.memory_space<vmem>>, vector<1x128xf32>
    %add3A = vector.broadcast %get3A_7 : vector<1x128xf32> to vector<1000x128xf32>
    %add3A_8 = arith.addf %concatenate3A, %add3A : vector<1000x128xf32>
    %max3A = arith.constant 0.000000e+00 : f32
    %max3A_9 = vector.broadcast %max3A : f32 to vector<1000x128xf32>
    %max3A_10 = arith.maximumf %add3A_8, %max3A_9 : vector<1000x128xf32>
    %get3A_11 = arith.constant 0 : index
    %get3A_12 = arith.constant 0 : index
    %get3A_13 = vector.load %arg4[%get3A_11, %get3A_12] : memref<128x48xf32, #tpu.memory_space<vmem>>, vector<128x48xf32>
    %dot_general3A = arith.constant dense<0.000000e+00> : vector<1000x48xf32>
    %dot_general3A_14 = tpu.matmul %max3A_10, %get3A_13, %dot_general3A {dimension_numbers = #tpu.dot_dimension_numbers<[1], [0], [0], [1], [0, 0, 1, 1], [], []>, transpose_lhs_hint = false} : vector<1000x128xf32>, vector<128x48xf32>, vector<1000x48xf32> -> vector<1000x48xf32>
    %swap3A = arith.constant 0 : index
    %swap3A_15 = arith.constant 0 : index
    %swap3A_16 = vector.load %arg5[%swap3A, %swap3A_15] : memref<1000x48xf32, #tpu.memory_space<vmem>>, vector<1000x48xf32>
    tpu.vector_store %arg5[%swap3A, %swap3A_15], %dot_general3A_14 {strides = array<i32>} : memref<1000x48xf32, #tpu.memory_space<vmem>>, vector<1000x48xf32>,
    return
  }
  func.func @transform_0(%arg0: i32) -> (i32, i32) {
    %c0_i32 = arith.constant 0 : i32
    %c0_i32_0 = arith.constant 0 : i32
    return %arg0, %c0_i32 : i32, i32
  }
  func.func @transform_1(%arg0: i32) -> (i32, i32) {
    %c0_i32 = arith.constant 0 : i32
    %c0_i32_0 = arith.constant 0 : i32
    return %arg0, %c0_i32 : i32, i32
  }
  func.func @transform_2(%arg0: i32) -> (i32, i32) {
    %c0_i32 = arith.constant 0 : i32
    %c0_i32_0 = arith.constant 0 : i32
    %c0_i32_1 = arith.constant 0 : i32
    return %c0_i32, %c0_i32_0 : i32, i32
  }
  func.func @transform_3(%arg0: i32) -> (i32, i32) {
    %c0_i32 = arith.constant 0 : i32
    %c0_i32_0 = arith.constant 0 : i32
    %c0_i32_1 = arith.constant 0 : i32
    return %c0_i32, %c0_i32_0 : i32, i32
  }
  func.func @transform_4(%arg0: i32) -> (i32, i32) {
    %c0_i32 = arith.constant 0 : i32
    %c0_i32_0 = arith.constant 0 : i32
    return %arg0, %c0_i32 : i32, i32
  }
}

module attributes {stable_mosaic.version = 14 : i64} {
  func.func @kern(%arg0: i32, %arg1: memref<1000x48xf32, #tpu.memory_space<vmem>>, %arg2: memref<1000x48xf32, #tpu.memory_space<vmem>>, %arg3: memref<1x48xf32, #tpu.memory_space<vmem>>, %arg4: memref<1000x48xf32, #tpu.memory_space<vmem>>) attributes {dimension_semantics = [#tpu.dimension_semantics<arbitrary>], iteration_bounds = array<i64: 10>, scalar_prefetch = 0 : i64, scratch_operands = 0 : i64, tpu.core_type = #tpu.core_type<tc>, window_params = [{transform_indices = @transform_0, window_bounds = array<i64: 1000, 48>}, {transform_indices = @transform_1, window_bounds = array<i64: 1000, 48>}, {pipeline_mode = #tpu.pipeline_mode<synchronous>, transform_indices = @transform_2, window_bounds = array<i64: 1, 48>}, {transform_indices = @transform_3, window_bounds = array<i64: 1000, 48>}]} {
    %get3A = arith.constant 0 : index
    %get3A_0 = arith.constant 0 : index
    %get3A_1 = vector.load %arg1[%get3A, %get3A_0] : memref<1000x48xf32, #tpu.memory_space<vmem>>, vector<1000x48xf32>
    %get3A_2 = arith.constant 0 : index
    %get3A_3 = arith.constant 0 : index
    %get3A_4 = vector.load %arg2[%get3A_2, %get3A_3] : memref<1000x48xf32, #tpu.memory_space<vmem>>, vector<1000x48xf32>
    %add3A = arith.addf %get3A_1, %get3A_4 : vector<1000x48xf32>
    %get3A_5 = arith.constant 0 : index
    %get3A_6 = arith.constant 0 : index
    %get3A_7 = vector.load %arg3[%get3A_5, %get3A_6] : memref<1x48xf32, #tpu.memory_space<vmem>>, vector<1x48xf32>
    %add3A_8 = vector.broadcast %get3A_7 : vector<1x48xf32> to vector<1000x48xf32>
    %add3A_9 = arith.addf %add3A, %add3A_8 : vector<1000x48xf32>
    %iota3A = tpu.iota {dimensions = array<i32: 1>} : vector<1000x48xi32>
    %lt3A = arith.constant 40 : i32
    %lt3A_10 = vector.broadcast %lt3A : i32 to vector<1000x48xi32>
    %lt3A_11 = arith.cmpi slt, %iota3A, %lt3A_10 : vector<1000x48xi32>
    %jit3A = arith.constant -1.000000e+30 : f32
    %broadcast_in_dim3A = vector.broadcast %jit3A : f32 to vector<1000x48xf32>
    %select_n3A = arith.select %lt3A_11, %add3A_9, %broadcast_in_dim3A : vector<1000x48xi1>, vector<1000x48xf32>
    %reduce_max3A = arith.constant dense<0xFF800000> : vector<1000xf32>
    %reduce_max3A_12 = vector.multi_reduction <maximumf>, %select_n3A, %reduce_max3A [1] : vector<1000x48xf32> to vector<1000xf32>
    %broadcast_in_dim3A_13 = vector.shape_cast %reduce_max3A_12 : vector<1000xf32> to vector<1000x1xf32>
    %sub3A = vector.broadcast %broadcast_in_dim3A_13 : vector<1000x1xf32> to vector<1000x48xf32>
    %sub3A_14 = arith.subf %add3A_9, %sub3A : vector<1000x48xf32>
    %exp3A = math.exp %sub3A_14 : vector<1000x48xf32>
    %jit3A_15 = arith.constant 0.000000e+00 : f32
    %broadcast_in_dim3A_16 = vector.broadcast %jit3A_15 : f32 to vector<1000x48xf32>
    %select_n3A_17 = arith.select %lt3A_11, %exp3A, %broadcast_in_dim3A_16 : vector<1000x48xi1>, vector<1000x48xf32>
    %reduce_sum3A = arith.constant dense<0.000000e+00> : vector<1000xf32>
    %reduce_sum3A_18 = vector.multi_reduction <add>, %select_n3A_17, %reduce_sum3A [1] : vector<1000x48xf32> to vector<1000xf32>
    %broadcast_in_dim3A_19 = vector.shape_cast %reduce_sum3A_18 : vector<1000xf32> to vector<1000x1xf32>
    %sub3A_20 = vector.broadcast %broadcast_in_dim3A_13 : vector<1000x1xf32> to vector<1000x48xf32>
    %sub3A_21 = arith.subf %add3A_9, %sub3A_20 : vector<1000x48xf32>
    %log3A = math.log %broadcast_in_dim3A_19 : vector<1000x1xf32>
    %sub3A_22 = vector.broadcast %log3A : vector<1000x1xf32> to vector<1000x48xf32>
    %sub3A_23 = arith.subf %sub3A_21, %sub3A_22 : vector<1000x48xf32>
    %swap3A = arith.constant 0 : index
    %swap3A_24 = arith.constant 0 : index
    %swap3A_25 = vector.load %arg4[%swap3A, %swap3A_24] : memref<1000x48xf32, #tpu.memory_space<vmem>>, vector<1000x48xf32>
    tpu.vector_store %arg4[%swap3A, %swap3A_24], %sub3A_23 {strides = array<i32>} : memref<1000x48xf32, #tpu.memory_space<vmem>>, vector<1000x48xf32>,
    return
  }
  func.func @transform_0(%arg0: i32) -> (i32, i32) {
    %c0_i32 = arith.constant 0 : i32
    %c0_i32_0 = arith.constant 0 : i32
    return %arg0, %c0_i32 : i32, i32
  }
  func.func @transform_1(%arg0: i32) -> (i32, i32) {
    %c0_i32 = arith.constant 0 : i32
    %c0_i32_0 = arith.constant 0 : i32
    return %arg0, %c0_i32 : i32, i32
  }
  func.func @transform_2(%arg0: i32) -> (i32, i32) {
    %c0_i32 = arith.constant 0 : i32
    %c0_i32_0 = arith.constant 0 : i32
    %c0_i32_1 = arith.constant 0 : i32
    return %c0_i32, %c0_i32_0 : i32, i32
  }
  func.func @transform_3(%arg0: i32) -> (i32, i32) {
    %c0_i32 = arith.constant 0 : i32
    %c0_i32_0 = arith.constant 0 : i32
    return %arg0, %c0_i32 : i32, i32
  }
}

</mosaic_0001>

<sc_bundles>
// kernel: kernel.12.cloned.1.call-start
scs
__scs_entry_jumppad:
0x0: {  	(pc) =	sbr.rel $0x88, $3  }
0x1: {  	(tag) =	ssettag $0x0;
	lr =	simm.s32 $0x1  }
0x2: {  	[smem:$0x3F99] =	sst lr;
	_ =	strace $0xD0000000  }
0x3: {  	_ = 	snop  }
0x4: {  	_ = 	snop  }
0x5: {  	_ = 	snop  }
0x6: {  	_ = 	snop  }
0x7: {  	_ = 	snop  }
__scs_overlays_trampoline_lowered:
0x8: {  	[smem:$0x3FA8] =	sst s0  }
0x9: {  	[smem:$0x3FA9] =	sst s1  }
0xa: {  	[smem:$0x3FAA] =	sst s2  }
0xb: {  	[smem:$0x3FAB] =	sst s3  }
0xc: {  	[smem:$0x3FAC] =	sst s4  }
0xd: {  	[smem:$0x3FAD] =	sst s5  }
0xe: {  	[smem:$0x3FAE] =	sst s6  }
0xf: {  	[smem:$0x3FAF] =	sst s7  }
0x10: {  	[smem:$0x3FB0] =	sst s8  }
0x11: {  	[smem:$0x3FB1] =	sst s9;
	s0 =	simm.s32 @!p0 $0x0  }
0x12: {  	s1 =	sld [smem:$0x3F97];
	s0 =	simm.s32 @p0 $0x1  }
0x13: {  	[smem:$0x3FB2] =	sst s0;
	s0 =	simm.s32 @!p1 $0x0  }
0x14: {  	s2 =	sld [smem:$0x3F96];
	s0 =	simm.s32 @p1 $0x1  }
0x15: {  	[smem:$0x3FB3] =	sst s0;
	s0 =	simm.s32 @!p2 $0x0  }
0x16: {  	s3 =	sld [smem:$0x3FDB];
	s0 =	simm.s32 @p2 $0x1  }
0x17: {  	s4 =	simm.s32 $0x1BF5;
	[smem:$0x3FB5] =	sst s0  }
0x18: {  	s0 =	sld [smem:$0x3F98];
	_ =	swait.ge [sflag:s4], $0x0  }
0x19: {  	s7 =	sld [smem:$0x3F99]  }
0x1a: {  	s8 =	sadd.s32 $0xFFFFE003, lr  }
0x1b: {  	s9 =	sadd.s32 $0xFFFFFEF7, lr;
	s5 =	simm.s32 $0xFFFFFFFF;
	p2 =	slt.u32 s8, $0xFFFFF086  }
0x1c: {  	p1 =	slt.u32 s9, $0xF7A;
	s5 =	simm.s32 @!p2 $0x0  }
0x1d: {  	s5 =	simm.s32 @p1 $0x1;
	p0 =	seq.s32 s7, s2  }
0x1e: {  	s7 =	smul.u32 @!p0 $0xF7A, s2;
	p2 =	seq.s32 @!p0 s5, $0x0  }
0x1f: {  	s9 =	smul.u32 $0xF7A, s1;
	s8 =	simm.s32 @!p0 $0x1BF5;
	p2 =	por !p2, p0  }
0x20: {  	[sflag:s8] =	ssyncset.s32 @!p0 $0xFFFFF086;
	s6 =	sadd.s32 @!p0 s3, s7;
	s7 =	simm.s32 @!p0 $0x108  }
0x21: {  	s3 =	sadd.s32 s3, s9;
	s6 =	sadd.s32 @!p0 $0x88, s6;
	s7 =	simm.s32 @p2 $0x1082  }
0x22: {  	[simem:s7], [sflag:s8] =	dma.local @!p0 [hbm:s6], $0xF7A  }
0x23: {  	s9 =	sor.u32 $0xD0000000, s2;
	s6 =	simm.s32 $0x108;
	_ =	swait.ge @!p0 [sflag:s8], $0x0  }
0x24: {  	s3 =	sadd.s32 $0x88, s3;
	s6 =	simm.s32 @!p1 $0x1082;
	[sflag:s4] =	ssyncset.s32 $0xFFFFF086  }
0x25: {  	[simem:s6], [sflag:s4] =	dma.local [hbm:s3], $0xF7A  }
0x26: {  	[smem:$0x3F99] =	sst s1;
	(tag) =	ssettag s2;
	_ =	strace s9  }
0x27: {  	s1 =	sld [smem:$0x3FA9]  }
0x28: {  	s2 =	sld [smem:$0x3FAA]  }
0x29: {  	s4 =	sld [smem:$0x3FAC]  }
0x2a: {  	p0 =	seq.s32 s5, $0x0;
	s5 =	sld [smem:$0x3FAD]  }
0x2b: {  	s6 =	sld [smem:$0x3FAE]  }
0x2c: {  	s7 =	sld [smem:$0x3FAF]  }
0x2d: {  	s3 =	simm.s32 $0x108;
	s8 =	sld [smem:$0x3FB0]  }
0x2e: {  	s3 =	simm.s32 @!p0 $0x1082;
	s9 =	sld [smem:$0x3FB1]  }
0x2f: {  	lr =	sadd.s32 s0, s3;
	s0 =	sld [smem:$0x3FA8]  }
0x30: {  	s3 =	sld [smem:$0x3FAB]  }
0x31: {  	[smem:$0x3FB4] =	sst s10  }
0x32: {  	s10 =	sld [smem:$0x3FB2];
	_ =	sdelay $0x3  }
0x33: {  	p0 =	seq.s32 s10, $0x1;
	s10 =	sld [smem:$0x3FB4];
	_ =	sdelay $0x3  }
0x34: {  	[smem:$0x3FB4] =	sst s10  }
0x35: {  	s10 =	sld [smem:$0x3FB3];
	_ =	sdelay $0x3  }
0x36: {  	p1 =	seq.s32 s10, $0x1;
	s10 =	sld [smem:$0x3FB4];
	_ =	sdelay $0x3  }
0x37: {  	[smem:$0x3FB4] =	sst s10  }
0x38: {  	s10 =	sld [smem:$0x3FB5]  }
0x39: {  	_ = 	snop;
	(pc) =	sbr.ind lr, $3  }
0x3a: {  	_ = 	snop  }
0x3b: {  	_ = 	snop  }
0x3c: {  	p2 =	seq.s32 s10, $0x1;
	s10 =	sld [smem:$0x3FB4]  }
0x3d: {  	_ =	shalt  }
0x3e: {  	_ =	shalt  }
0x3f: {  	_ =	shalt  }
0x40: {  	_ =	shalt  }
0x41: {  	_ =	shalt  }
0x42: {  	_ =	shalt  }
0x43: {  	_ =	shalt  }
0x44: {  	_ =	shalt  }
0x45: {  	_ =	shalt  }
0x46: {  	_ =	shalt  }
0x47: {  	_ =	shalt  }
0x48: {  	_ =	shalt  }
0x49: {  	_ =	shalt  }
0x4a: {  	_ =	shalt  }
0x4b: {  	_ =	shalt  }
0x4c: {  	_ =	shalt  }
0x4d: {  	_ =	shalt  }
0x4e: {  	_ =	shalt  }
0x4f: {  	_ =	shalt  }
0x50: {  	_ =	shalt  }
0x51: {  	_ =	shalt  }
0x52: {  	_ =	shalt  }
0x53: {  	_ =	shalt  }
0x54: {  	_ =	shalt  }
0x55: {  	_ =	shalt  }
0x56: {  	_ =	shalt  }
0x57: {  	_ =	shalt  }
0x58: {  	_ =	shalt  }
0x59: {  	_ =	shalt  }
0x5a: {  	_ =	shalt  }
0x5b: {  	_ =	shalt  }
0x5c: {  	_ =	shalt  }
0x5d: {  	_ =	shalt  }
0x5e: {  	_ =	shalt  }
0x5f: {  	_ =	shalt  }
0x60: {  	_ =	shalt  }
0x61: {  	_ =	shalt  }
0x62: {  	_ =	shalt  }
0x63: {  	_ =	shalt  }
0x64: {  	_ =	shalt  }
0x65: {  	_ =	shalt  }
0x66: {  	_ =	shalt  }
0x67: {  	_ =	shalt  }
0x68: {  	_ =	shalt  }
0x69: {  	_ =	shalt  }
0x6a: {  	_ =	shalt  }
0x6b: {  	_ =	shalt  }
0x6c: {  	_ =	shalt  }
0x6d: {  	_ =	shalt  }
0x6e: {  	_ =	shalt  }
0x6f: {  	_ =	shalt  }
0x70: {  	_ =	shalt  }
0x71: {  	_ =	shalt  }
0x72: {  	_ =	shalt  }
0x73: {  	_ =	shalt  }
0x74: {  	_ =	shalt  }
0x75: {  	_ =	shalt  }
0x76: {  	_ =	shalt  }
0x77: {  	_ =	shalt  }
0x78: {  	_ =	shalt  }
0x79: {  	_ =	shalt  }
0x7a: {  	_ =	shalt  }
0x7b: {  	_ =	shalt  }
0x7c: {  	_ =	shalt  }
0x7d: {  	_ =	shalt  }
0x7e: {  	_ =	shalt  }
0x7f: {  	_ =	shalt  }
0x80: {  	_ =	shalt  }
0x81: {  	_ =	shalt  }
0x82: {  	_ =	shalt  }
0x83: {  	_ =	shalt  }
0x84: {  	_ =	shalt  }
0x85: {  	_ =	shalt  }
0x86: {  	_ =	shalt  }
0x87: {  	_ =	shalt  }
.Lfunc_end0:
.L_simem_size_0:
called_computation.1_lowered:
.L_overlay_start_0:
0x88: {  	s2 =	sld [smem:$0x3FD9]  }
0x89: {  	s3 =	sld [smem:$0x3FFE];
	_ =	sdelay $0x1  }
0x8a: {  	s1 =	srdreg.scid  }
0x8b: {  	s0 =	sand.u32 $0x1, s1  }
0x8c: {  	s17 =	sshll.u32 s0, $0xA;
	s2 =	sadd.s32 s3, s2  }
0x8d: {  	s2 =	sadd.s32 s2, s17  }
0x8e: {  	[smem:$0x3FC0] =	sst s2  }
0x8f: {  	_ = 	snop  }
0x90: {  	s2 =	sld [smem:$0x3FD0];
	(tm) =	ssettm $0x1  }
0x91: {  	s18 =	sld [smem:$0x3FFB];
	_ =	sdelay $0x3  }
0x92: {  	_ =	strace s18  }
0x93: {  	s3 =	sld [smem:$0x3FFC];
	_ =	sdelay $0x3  }
0x94: {  	_ =	strace s3  }
0x95: {  	s3 =	sld [smem:$0x3FFD];
	_ =	sdelay $0x3  }
0x96: {  	_ =	strace s3  }
0x97: {  	_ =	strace $0x8FFFFFFF  }
0x98: {  	s19 =	sld [smem:$0x3FDB];
	_ =	sdelay $0x1  }
0x99: {  	s4 =	simm.s32 $_scs_section_size  }
0x9a: {  	s5 =	simm.s32 $_size__tile_overlayer_lowered;
	s6 =	simm.s32 $_tile_overlayer_lowered  }
0x9b: {  	s22 =	simm.s32 $0x1BFF;
	s21 =	sshll.u32 s6, $0x1;
	s3 =	sadd.s32 s4, s19  }
0x9c: {  	s7 =	simm.s32 $0x0;
	s20 =	sshll.u32 s5, $0x1;
	s5 =	sadd.s32 s21, s3  }
0x9d: {  	[timem:s7], [sflag:s22] =	dma.local [hbm:s5], s20  }
0x9e: {  	_ =	swait.ge [sflag:s22], s20  }
0x9f: {  	s4 =	ssub.s32 $0x0, s20;
	[sflag:s22] =	ssyncset.done $0x0  }
0xa0: {  	[sflag:s22] =	ssyncadd.s32 s4;
	_ =	sdelay $0x1  }
0xa1: {  	s23 =	simm.s32 $0x1B8B  }
0xa2: {  	_ =	swait.ge [sflag:s23], $0x1  }
0xa3: {  	[sflag:s23] =	ssyncset.done $0x0  }
0xa4: {  	s25 =	simm.s32 $0x1B8E;
	s24 =	sld [smem:$0x3FFE];
	[sflag:s23] =	ssyncadd.s32 $0xFFFFFFFF  }
0xa5: {  	s26 =	simm.s32 $execute0_lowered;
	[smem:$0x3FD2] =	sst s25  }
0xa6: {  	s5 =	sshll.u32 s26, $0x1;
	_ =	strace $0x80000049;
	[dreg:$0x1] =	wrdreg $0xFFFFFFFF  }
0xa7: {  	s28 =	simm.s32 $_size_execute0_lowered;
	s3 =	sadd.s32 s3, s5;
	[dreg:$0x0] =	wrdreg $0x0  }
0xa8: {  	s5 =	sshll.u32 s28, $0x1;
	[dreg:$0x2] =	wrdreg s3  }
0xa9: {  	[dreg:$0x3] =	wrdreg s5  }
0xaa: {  	[dreg:$0x4] =	wrdreg $0xC0  }
0xab: {  	_ =	task [dreg:s7], $0x5FFFF  }
0xac: {  	[dreg:$0x1] =	wrdreg $0xFFFFFFFF  }
0xad: {  	[dreg:$0x0] =	wrdreg $0x60  }
0xae: {  	[dreg:$0x2] =	wrdreg s24  }
0xaf: {  	[dreg:$0x3] =	wrdreg s2  }
0xb0: {  	[dreg:$0x4] =	wrdreg $0xE0000  }
0xb1: {  	[dreg:$0x5] =	wrdreg $0x9  }
0xb2: {  	_ =	task.clear_ibuf [dreg:s7], $0x6FFFF;
	_ =	strace $0x90000049  }
0xb3: {  	s29 =	simm.s32 $0x9;
	_ =	strace $0x8000004B  }
0xb4: {  	_ =	swait.ge [sflag:s29], $0x1  }
0xb5: {  	[sflag:s29] =	ssyncadd.s32 $0xFFFFFFFF  }
0xb6: {  	_ =	strace $0x9000004B  }
0xb7: {  	_ =	sfence  }
0xb8: {  	s30 =	sld [smem:$0x0];
	_ =	sdelay $0x2  }
0xb9: {  	s31 =	sshll.u32 s1, $0xD;
	s1 =	sshrl.u32 s1, $0x2  }
0xba: {  	s3 =	sand.u32 $0x4000, s31;
	s1 =	sadd.s32 s1, s30  }
0xbb: {  	s0 =	sor.u32 s3, s0;
	s1 =	sshll.u32 s1, $0x11  }
0xbc: {  	s0 =	sor.u32 s1, s0  }
0xbd: {  	s0 =	sadd.s32 $0x8F2B, s0  }
0xbe: {  	[sflag:s0] =	ssyncadd.remote.s32 $0x1  }
0xbf: {  	_ =	sfence.sel $0xFFFF  }
0xc0: {  	[dreg:$0x0] =	wrdreg $0xFFFFFFFF;
	(pc) =	sbr.abs _section_cstart, $3  }
0xc1: {  	[dreg:$0x1] =	wrdreg $0xFFFFFFFF  }
0xc2: {  	_ =	task.clear_ibuf [dreg:s7], $0x2FFFF;
	_ =	strace $0x9FFFFFFF  }
0xc3: {  	(tm) =	ssettm $0x7FFFFFFF  }
tec
execute0_lowered:
.L_overlay_start_1:
0x0: {  	(tag) =	ssettag $0x1  }
0x1: {  	s5 =	rddreg [dreg:$0x0]  }
0x2: {  	s7 =	rddreg [dreg:$0x1]  }
0x3: {  	s1 =	srdreg.scid;
	s0 =	stileid.u32  }
0x4: {  	s2 =	rddreg [dreg:$0x2];
	s3 =	simm.s32 $0x0;
	s15 =	simm.s32 $0xA000  }
0x5: {  	s16 =	simm.s32 $0x6;
	s17 =	simm.s32 $0x5;
	s18 =	simm.s32 $0x80  }
0x6: {  	s19 =	simm.s32 $0x1;
	s20 =	simm.s32 $0xC000;
	s21 =	simm.s32 $0x2  }
0x7: {  	s22 =	simm.s32 $0x5080;
	s23 =	simm.s32 $0x3;
	s8 =	smul.u32 $0x5000, s0  }
0x8: {  	s24 =	simm.s32 $0x100;
	s25 =	simm.s32 $0x4;
	s9 =	smul.u32 $0x1400, s0  }
0x9: {  	s6 =	sand.u32 $0x1, s1;
	s1 =	rddreg [dreg:$0x3];
	s12 =	smul.u32 $0x28000, s0  }
0xa: {  	s26 =	simm.s32 $0x0;
	[smem:$0x7FF] =	sst s3;
	s4 =	smul.u32 $0x50000, s6  }
0xb: {  	_ =	strace $0x8000004A;
	s11 =	smul.u32 $0x14000, s6;
	s6 =	ssub.s32 $0x2, s6  }
0xc: {  	s30 =	sshrl.u32 s6, $0x1;
	s31 =	sshrl.u32 s12, $0x2;
	s10 =	sadd.s32 s8, s4  }
0xd: {  	s4 =	sadd.s32 $0x1C00, s5;
	s9 =	sadd.s32 s9, s11;
	s14 =	ssub.s32 s6, s30  }
.Ltmp0:
0xe: {  	s8 =	sshrl.u32 s8, $0x3;
	s10 =	sshrl.u32 s10, $0x3;
	(pc) =	sbr.rel .LBB2_1-.Ltmp0, $4  }
0xf: {  	s13 =	sadd.s32 s9, s5;
	s7 =	sadd.s32 s7, s8;
	s10 =	sadd.s32 s10, s5  }
0x10: {  	s5 =	sadd.s32 s31, s2;
	s12 =	sadd.s32 $0x3CE00, s13;
	s13 =	smax.u32 s14, $0x1  }
0x11: {  	s14 =	simm.s32 $0x5000;
	s6 =	sadd.s32 $0x28E00, s10;
	s8 =	sadd.s32 $0x2000, s5  }
0x12: {  	v0 =	vimm.f32 $0.0e+00;
	s9 =	sadd.s32 $0x4000, s5;
	s10 =	sadd.s32 $0x6000, s5;
	s11 =	sadd.s32 $0x8000, s5  }
.LBB2_6:
0x13: {  	_ =	swait.ge [sflag:s25], $0x2000  }
0x14: {  	s28 =	sshll.u32 s0, $0x6;
	s26 =	sadd.s32 $0x1, s26;
	[sflag:s25] =	ssyncset.done $0x0  }
0x15: {  	s29 =	sshrl.u32 s5, $0x3;
	p0 =	sne.s32 s26, s13;
	[sflag:s25] =	ssyncadd.s32 $0xFFFFE000  }
.Ltmp1:
0x16: {  	s28 =	sor.u32 $0x1C06, s28;
	[bflag:$0x0] =	sbarrier.arrive $0xFFFF;
	(pc) =	sbr.rel @!p0 .LBB2_7-.Ltmp1, $4  }
0x17: {  	[hbm:s12], [sflag:s28] =	dma.local [spmem:s29], $0x1400  }
0x18: {  	_ =	swait.ge [sflag:s16], $0x1400  }
0x19: {  	[sflag:s16] =	ssyncset.done $0x0  }
0x1a: {  	[sflag:s16] =	ssyncadd.s32 $0xFFFFEC00  }
.LBB2_1:
0x1b: {  	[tilespmem:s3], [sflag:$0x5] =	stream.linear.gather [hbm4b:s6+s3], $0x5000, $0x38;
	[tilespmem:$0x18000] =	vst v63  }
0x1c: {  	s29 =	simm.s32 $0x100;
	s28 =	simm.s32 $0x0  }
0x1d: {  	[tilespmem:s14], [sflag:$0x5] =	stream.linear.gather [hbm4b:s7+s3], $0x5000, $0x38;
	[tilespmem:$0x18000] =	vst v63  }
.LBB2_2:
0x1e: {  	p0 =	sne.s32 s29, $0x7F00;
	[tilespmem:s28+$0xA030] =	vst v0;
	s30 =	smov.u32 s29;
	s29 =	sadd.s32 $0x100, s29  }
.Ltmp2:
0x1f: {  	[tilespmem:s28+$0xA020] =	vst v0;
	(pc) =	sbr.rel @p0 .LBB2_2-.Ltmp2, $3  }
0x20: {  	[tilespmem:s28+$0xA000] =	vst v0  }
0x21: {  	[tilespmem:s28+$0xA010] =	vst v0;
	_ =	sdelay $0x1  }
0x22: {  	s28 =	sshra.s32 s30, $0x2  }
0x23: {  	[tilespmem:s28+$0xA030] =	vst v0  }
0x24: {  	[tilespmem:s28+$0xA020] =	vst v0  }
0x25: {  	[tilespmem:s28+$0xA000] =	vst v0  }
0x26: {  	[tilespmem:s28+$0xA010] =	vst v0  }
0x27: {  	[spmem:s5] =	stream.linear.scatter [tilespmem:s15], [sflag:$0x6], $0x2000, $0x38;
	[tilespmem:$0x18000] =	vst v63  }
0x28: {  	_ =	swait.ge [sflag:s16], $0x2000  }
0x29: {  	[sflag:s16] =	ssyncset.done $0x0  }
0x2a: {  	[sflag:s16] =	ssyncadd.s32 $0xFFFFE000  }
0x2b: {  	[spmem:s8] =	stream.linear.scatter [tilespmem:s15], [sflag:$0x6], $0x2000, $0x38;
	[tilespmem:$0x18000] =	vst v63  }
0x2c: {  	_ =	swait.ge [sflag:s16], $0x2000  }
0x2d: {  	[sflag:s16] =	ssyncset.done $0x0  }
0x2e: {  	[sflag:s16] =	ssyncadd.s32 $0xFFFFE000  }
0x2f: {  	[spmem:s9] =	stream.linear.scatter [tilespmem:s15], [sflag:$0x6], $0x2000, $0x38;
	[tilespmem:$0x18000] =	vst v63  }
0x30: {  	_ =	swait.ge [sflag:s16], $0x2000  }
0x31: {  	[sflag:s16] =	ssyncset.done $0x0  }
0x32: {  	[sflag:s16] =	ssyncadd.s32 $0xFFFFE000  }
0x33: {  	[spmem:s10] =	stream.linear.scatter [tilespmem:s15], [sflag:$0x6], $0x2000, $0x38;
	[tilespmem:$0x18000] =	vst v63  }
0x34: {  	_ =	swait.ge [sflag:s16], $0x2000  }
0x35: {  	[sflag:s16] =	ssyncset.done $0x0  }
0x36: {  	[sflag:s16] =	ssyncadd.s32 $0xFFFFE000  }
0x37: {  	[spmem:s11] =	stream.linear.scatter [tilespmem:s15], [sflag:$0x6], $0x2000, $0x38;
	[tilespmem:$0x18000] =	vst v63  }
0x38: {  	_ =	swait.ge [sflag:s16], $0x2000  }
0x39: {  	[sflag:s16] =	ssyncset.done $0x0  }
0x3a: {  	[sflag:s16] =	ssyncadd.s32 $0xFFFFE000  }
0x3b: {  	_ =	swait.ge [sflag:s17], $0x5000  }
0x3c: {  	[sflag:s17] =	ssyncset.done $0x0  }
0x3d: {  	[sflag:s17] =	ssyncadd.s32 $0xFFFFB000  }
0x3e: {  	_ =	swait.ge [sflag:s17], $0x5000  }
0x3f: {  	[sflag:s17] =	ssyncset.done $0x0  }
0x40: {  	[sflag:s17] =	ssyncadd.s32 $0xFFFFB000  }
0x41: {  	[bflag:$0x0] =	sbarrier.arrive $0xFFFF  }
0x42: {  	[tilespmem:s15], [sflag:$0x1] =	stream.indirect.gather [hbm4b:s4+s18], $0x40, s3, s18, $0xb8;
	[tilespmem:$0x18000] =	vst v63  }
0x43: {  	_ =	swait.ge [sflag:s19], $0x2000  }
0x44: {  	[sflag:s19] =	ssyncset.done $0x0  }
0x45: {  	[sflag:s19] =	ssyncadd.s32 $0xFFFFE000  }
0x46: {  	[spmem:s2] =	stream.indirect.scatter.add.f32 [tilespmem:s15], [sflag:$0x3], $0x40, s14, s18, $0xb8;
	[tilespmem:$0x18000] =	vst v63  }
0x47: {  	_ = 	snop  }
0x48: {  	[tilespmem:s20], [sflag:$0x2] =	stream.indirect.gather [hbm4b:s4+s18], $0x40, s18, s18, $0xb8;
	[tilespmem:$0x18000] =	vst v63  }
0x49: {  	_ =	swait.ge [sflag:s21], $0x2000  }
0x4a: {  	[sflag:s21] =	ssyncset.done $0x0  }
0x4b: {  	[sflag:s21] =	ssyncadd.s32 $0xFFFFE000  }
0x4c: {  	[spmem:s2] =	stream.indirect.scatter.add.f32 [tilespmem:s20], [sflag:$0x4], $0x40, s22, s18, $0xb8;
	[tilespmem:$0x18000] =	vst v63  }
0x4d: {  	_ =	swait.ge [sflag:s23], $0x2000  }
0x4e: {  	[sflag:s23] =	ssyncset.done $0x0  }
0x4f: {  	s28 =	simm.s32 $0xFFFEC800;
	[sflag:s23] =	ssyncadd.s32 $0xFFFFE000  }
0x50: {  	[tilespmem:s15], [sflag:$0x1] =	stream.indirect.gather [hbm4b:s4+s18], $0x40, s24, s18, $0xb8;
	[tilespmem:$0x18000] =	vst v63  }
.LBB2_4:
0x51: {  	_ =	swait.ge [sflag:s19], $0x2000  }
0x52: {  	s29 =	sshra.s32 s28, $0x2;
	[sflag:s19] =	ssyncset.done $0x0  }
0x53: {  	s30 =	sadd.s32 $0x9F00, s29;
	[sflag:s19] =	ssyncadd.s32 $0xFFFFE000  }
0x54: {  	[spmem:s2] =	stream.indirect.scatter.add.f32 [tilespmem:s15], [sflag:$0x3], $0x40, s30, s18, $0xb8;
	[tilespmem:$0x18000] =	vst v63  }
0x55: {  	_ =	swait.ge [sflag:s25], $0x2000  }
0x56: {  	[sflag:s25] =	ssyncset.done $0x0  }
0x57: {  	s31 =	sadd.s32 $0x4F80, s29;
	[sflag:s25] =	ssyncadd.s32 $0xFFFFE000  }
0x58: {  	[tilespmem:s20], [sflag:$0x2] =	stream.indirect.gather [hbm4b:s4+s18], $0x40, s31, s18, $0xb8;
	[tilespmem:$0x18000] =	vst v63  }
0x59: {  	_ =	swait.ge [sflag:s21], $0x2000  }
0x5a: {  	p0 =	seq.s32 s28, $0x0;
	[sflag:s21] =	ssyncset.done $0x0  }
.Ltmp3:
0x5b: {  	s31 =	sadd.s32 $0x9F80, s29;
	[sflag:s21] =	ssyncadd.s32 $0xFFFFE000;
	(pc) =	sbr.rel @p0 .LBB2_6-.Ltmp3, $4  }
0x5c: {  	[spmem:s2] =	stream.indirect.scatter.add.f32 [tilespmem:s20], [sflag:$0x4], $0x40, s31, s18, $0xb8;
	[tilespmem:$0x18000] =	vst v63  }
0x5d: {  	_ =	swait.ge [sflag:s23], $0x2000  }
0x5e: {  	[sflag:s23] =	ssyncset.done $0x0  }
0x5f: {  	[sflag:s23] =	ssyncadd.s32 $0xFFFFE000  }
.Ltmp4:
0x60: {  	(pc) =	sbr.rel .LBB2_4-.Ltmp4, $3  }
0x61: {  	_ =	sdelay $0x1  }
0x62: {  	s29 =	sadd.s32 $0x5000, s29;
	s28 =	sadd.s32 $0x400, s28  }
0x63: {  	[tilespmem:s15], [sflag:$0x1] =	stream.indirect.gather [hbm4b:s4+s18], $0x40, s29, s18, $0xb8;
	[tilespmem:$0x18000] =	vst v63  }
.LBB2_7:
0x64: {  	_ =	sfence.sel $0x180000  }
0x65: {  	[bflag:$0x0] =	sbarrier.arrive $0xFFFF  }
0x66: {  	p0 =	sne.s32 s0, $0x0;
	_ =	strace $0x9000004A  }
0x67: {  	s0 =	sadd.s32 @!p0 $0x100000, s1;
	[bflag:$0x2] =	sbarrier.arrive $0xFFFF  }
0x68: {  	[sflag:s0] =	ssyncadd.tile.s32 @!p0 $0x1;
	_ =	shalt  }
.Lfunc_end2:
_tile_overlayer_lowered:
.L_overlay_start_2:
0x69: {  	(tag) =	ssettag $0x2  }
0x6a: {  	s0 =	rddreg [dreg:$0x0];
	s2 =	stileid.u32  }
0x6b: {  	s1 =	rddreg [dreg:$0x1];
	p0 =	sne.s32 s2, $0x0  }
0x6c: {  	s3 =	rddreg [dreg:$0x2];
	[bflag:$0x3] =	sbarrier.arrive $0xFFFF;
	s2 =	simm.s32 @!p0 $0x1C06  }
0x6d: {  	[timem:s3], [sflag:s2] =	dma.local @!p0 [hbm:s0], s1  }
0x6e: {  	s0 =	simm.s32 @!p0 $0x6  }
0x6f: {  	_ =	swait.ge @!p0 [sflag:s0], s1  }
0x70: {  	s1 =	ssub.s32 @!p0 $0x0, s1;
	[sflag:s0] =	ssyncset.done @!p0 $0x0  }
0x71: {  	[sflag:s0] =	ssyncadd.s32 @!p0 s1  }
0x72: {  	[bflag:$0x3] =	sbarrier.arrive $0xFFFF  }
0x73: {  	_ =	shalt  }

// kernel: kernel.15.cloned.1.call-start
scs
__scs_entry_jumppad:
0x0: {  	(pc) =	sbr.rel $0x88, $3  }
0x1: {  	(tag) =	ssettag $0x0;
	lr =	simm.s32 $0x1  }
0x2: {  	[smem:$0x3F99] =	sst lr;
	_ =	strace $0xD0000000  }
0x3: {  	_ = 	snop  }
0x4: {  	_ = 	snop  }
0x5: {  	_ = 	snop  }
0x6: {  	_ = 	snop  }
0x7: {  	_ = 	snop  }
__scs_overlays_trampoline_lowered:
0x8: {  	[smem:$0x3FA8] =	sst s0  }
0x9: {  	[smem:$0x3FA9] =	sst s1  }
0xa: {  	[smem:$0x3FAA] =	sst s2  }
0xb: {  	[smem:$0x3FAB] =	sst s3  }
0xc: {  	[smem:$0x3FAC] =	sst s4  }
0xd: {  	[smem:$0x3FAD] =	sst s5  }
0xe: {  	[smem:$0x3FAE] =	sst s6  }
0xf: {  	[smem:$0x3FAF] =	sst s7  }
0x10: {  	[smem:$0x3FB0] =	sst s8  }
0x11: {  	[smem:$0x3FB1] =	sst s9;
	s0 =	simm.s32 @!p0 $0x0  }
0x12: {  	s1 =	sld [smem:$0x3F97];
	s0 =	simm.s32 @p0 $0x1  }
0x13: {  	[smem:$0x3FB2] =	sst s0;
	s0 =	simm.s32 @!p1 $0x0  }
0x14: {  	s2 =	sld [smem:$0x3F96];
	s0 =	simm.s32 @p1 $0x1  }
0x15: {  	[smem:$0x3FB3] =	sst s0;
	s0 =	simm.s32 @!p2 $0x0  }
0x16: {  	s3 =	sld [smem:$0x3FDB];
	s0 =	simm.s32 @p2 $0x1  }
0x17: {  	s4 =	simm.s32 $0x1BF5;
	[smem:$0x3FB5] =	sst s0  }
0x18: {  	s0 =	sld [smem:$0x3F98];
	_ =	swait.ge [sflag:s4], $0x0  }
0x19: {  	s7 =	sld [smem:$0x3F99]  }
0x1a: {  	s8 =	sadd.s32 $0xFFFFE003, lr  }
0x1b: {  	s9 =	sadd.s32 $0xFFFFFEF7, lr;
	s5 =	simm.s32 $0xFFFFFFFF;
	p2 =	slt.u32 s8, $0xFFFFF086  }
0x1c: {  	p1 =	slt.u32 s9, $0xF7A;
	s5 =	simm.s32 @!p2 $0x0  }
0x1d: {  	s5 =	simm.s32 @p1 $0x1;
	p0 =	seq.s32 s7, s2  }
0x1e: {  	s7 =	smul.u32 @!p0 $0xF7A, s2;
	p2 =	seq.s32 @!p0 s5, $0x0  }
0x1f: {  	s9 =	smul.u32 $0xF7A, s1;
	s8 =	simm.s32 @!p0 $0x1BF5;
	p2 =	por !p2, p0  }
0x20: {  	[sflag:s8] =	ssyncset.s32 @!p0 $0xFFFFF086;
	s6 =	sadd.s32 @!p0 s3, s7;
	s7 =	simm.s32 @!p0 $0x108  }
0x21: {  	s3 =	sadd.s32 s3, s9;
	s6 =	sadd.s32 @!p0 $0x88, s6;
	s7 =	simm.s32 @p2 $0x1082  }
0x22: {  	[simem:s7], [sflag:s8] =	dma.local @!p0 [hbm:s6], $0xF7A  }
0x23: {  	s9 =	sor.u32 $0xD0000000, s2;
	s6 =	simm.s32 $0x108;
	_ =	swait.ge @!p0 [sflag:s8], $0x0  }
0x24: {  	s3 =	sadd.s32 $0x88, s3;
	s6 =	simm.s32 @!p1 $0x1082;
	[sflag:s4] =	ssyncset.s32 $0xFFFFF086  }
0x25: {  	[simem:s6], [sflag:s4] =	dma.local [hbm:s3], $0xF7A  }
0x26: {  	[smem:$0x3F99] =	sst s1;
	(tag) =	ssettag s2;
	_ =	strace s9  }
0x27: {  	s1 =	sld [smem:$0x3FA9]  }
0x28: {  	s2 =	sld [smem:$0x3FAA]  }
0x29: {  	s4 =	sld [smem:$0x3FAC]  }
0x2a: {  	p0 =	seq.s32 s5, $0x0;
	s5 =	sld [smem:$0x3FAD]  }
0x2b: {  	s6 =	sld [smem:$0x3FAE]  }
0x2c: {  	s7 =	sld [smem:$0x3FAF]  }
0x2d: {  	s3 =	simm.s32 $0x108;
	s8 =	sld [smem:$0x3FB0]  }
0x2e: {  	s3 =	simm.s32 @!p0 $0x1082;
	s9 =	sld [smem:$0x3FB1]  }
0x2f: {  	lr =	sadd.s32 s0, s3;
	s0 =	sld [smem:$0x3FA8]  }
0x30: {  	s3 =	sld [smem:$0x3FAB]  }
0x31: {  	[smem:$0x3FB4] =	sst s10  }
0x32: {  	s10 =	sld [smem:$0x3FB2];
	_ =	sdelay $0x3  }
0x33: {  	p0 =	seq.s32 s10, $0x1;
	s10 =	sld [smem:$0x3FB4];
	_ =	sdelay $0x3  }
0x34: {  	[smem:$0x3FB4] =	sst s10  }
0x35: {  	s10 =	sld [smem:$0x3FB3];
	_ =	sdelay $0x3  }
0x36: {  	p1 =	seq.s32 s10, $0x1;
	s10 =	sld [smem:$0x3FB4];
	_ =	sdelay $0x3  }
0x37: {  	[smem:$0x3FB4] =	sst s10  }
0x38: {  	s10 =	sld [smem:$0x3FB5]  }
0x39: {  	_ = 	snop;
	(pc) =	sbr.ind lr, $3  }
0x3a: {  	_ = 	snop  }
0x3b: {  	_ = 	snop  }
0x3c: {  	p2 =	seq.s32 s10, $0x1;
	s10 =	sld [smem:$0x3FB4]  }
0x3d: {  	_ =	shalt  }
0x3e: {  	_ =	shalt  }
0x3f: {  	_ =	shalt  }
0x40: {  	_ =	shalt  }
0x41: {  	_ =	shalt  }
0x42: {  	_ =	shalt  }
0x43: {  	_ =	shalt  }
0x44: {  	_ =	shalt  }
0x45: {  	_ =	shalt  }
0x46: {  	_ =	shalt  }
0x47: {  	_ =	shalt  }
0x48: {  	_ =	shalt  }
0x49: {  	_ =	shalt  }
0x4a: {  	_ =	shalt  }
0x4b: {  	_ =	shalt  }
0x4c: {  	_ =	shalt  }
0x4d: {  	_ =	shalt  }
0x4e: {  	_ =	shalt  }
0x4f: {  	_ =	shalt  }
0x50: {  	_ =	shalt  }
0x51: {  	_ =	shalt  }
0x52: {  	_ =	shalt  }
0x53: {  	_ =	shalt  }
0x54: {  	_ =	shalt  }
0x55: {  	_ =	shalt  }
0x56: {  	_ =	shalt  }
0x57: {  	_ =	shalt  }
0x58: {  	_ =	shalt  }
0x59: {  	_ =	shalt  }
0x5a: {  	_ =	shalt  }
0x5b: {  	_ =	shalt  }
0x5c: {  	_ =	shalt  }
0x5d: {  	_ =	shalt  }
0x5e: {  	_ =	shalt  }
0x5f: {  	_ =	shalt  }
0x60: {  	_ =	shalt  }
0x61: {  	_ =	shalt  }
0x62: {  	_ =	shalt  }
0x63: {  	_ =	shalt  }
0x64: {  	_ =	shalt  }
0x65: {  	_ =	shalt  }
0x66: {  	_ =	shalt  }
0x67: {  	_ =	shalt  }
0x68: {  	_ =	shalt  }
0x69: {  	_ =	shalt  }
0x6a: {  	_ =	shalt  }
0x6b: {  	_ =	shalt  }
0x6c: {  	_ =	shalt  }
0x6d: {  	_ =	shalt  }
0x6e: {  	_ =	shalt  }
0x6f: {  	_ =	shalt  }
0x70: {  	_ =	shalt  }
0x71: {  	_ =	shalt  }
0x72: {  	_ =	shalt  }
0x73: {  	_ =	shalt  }
0x74: {  	_ =	shalt  }
0x75: {  	_ =	shalt  }
0x76: {  	_ =	shalt  }
0x77: {  	_ =	shalt  }
0x78: {  	_ =	shalt  }
0x79: {  	_ =	shalt  }
0x7a: {  	_ =	shalt  }
0x7b: {  	_ =	shalt  }
0x7c: {  	_ =	shalt  }
0x7d: {  	_ =	shalt  }
0x7e: {  	_ =	shalt  }
0x7f: {  	_ =	shalt  }
0x80: {  	_ =	shalt  }
0x81: {  	_ =	shalt  }
0x82: {  	_ =	shalt  }
0x83: {  	_ =	shalt  }
0x84: {  	_ =	shalt  }
0x85: {  	_ =	shalt  }
0x86: {  	_ =	shalt  }
0x87: {  	_ =	shalt  }
.Lfunc_end0:
.L_simem_size_0:
called_computation.2_lowered:
.L_overlay_start_0:
0x88: {  	s2 =	sld [smem:$0x3FD9]  }
0x89: {  	s3 =	sld [smem:$0x3FFE];
	_ =	sdelay $0x1  }
0x8a: {  	s1 =	srdreg.scid  }
0x8b: {  	s0 =	sand.u32 $0x1, s1  }
0x8c: {  	s16 =	sshll.u32 s0, $0xA;
	s2 =	sadd.s32 s3, s2  }
0x8d: {  	s2 =	sadd.s32 s2, s16  }
0x8e: {  	[smem:$0x3FC0] =	sst s2  }
0x8f: {  	_ = 	snop  }
0x90: {  	(tm) =	ssettm $0x1  }
0x91: {  	s17 =	sld [smem:$0x3FFB];
	_ =	sdelay $0x3  }
0x92: {  	_ =	strace s17  }
0x93: {  	s2 =	sld [smem:$0x3FFC];
	_ =	sdelay $0x3  }
0x94: {  	_ =	strace s2  }
0x95: {  	s2 =	sld [smem:$0x3FFD];
	_ =	sdelay $0x3  }
0x96: {  	_ =	strace s2  }
0x97: {  	_ =	strace $0x8FFFFFFF  }
0x98: {  	s18 =	sld [smem:$0x3FDB];
	_ =	sdelay $0x1  }
0x99: {  	s19 =	simm.s32 $_scs_section_size  }
0x9a: {  	s4 =	simm.s32 $_size__tile_overlayer_lowered;
	s5 =	simm.s32 $_tile_overlayer_lowered  }
0x9b: {  	s22 =	simm.s32 $0x1BFF;
	s21 =	sshll.u32 s5, $0x1;
	s2 =	sadd.s32 s19, s18  }
0x9c: {  	s6 =	simm.s32 $0x0;
	s20 =	sshll.u32 s4, $0x1;
	s4 =	sadd.s32 s21, s2  }
0x9d: {  	[timem:s6], [sflag:s22] =	dma.local [hbm:s4], s20  }
0x9e: {  	_ =	swait.ge [sflag:s22], s20  }
0x9f: {  	s3 =	ssub.s32 $0x0, s20;
	[sflag:s22] =	ssyncset.done $0x0  }
0xa0: {  	[sflag:s22] =	ssyncadd.s32 s3;
	_ =	sdelay $0x1  }
0xa1: {  	s23 =	simm.s32 $0x1B8B  }
0xa2: {  	_ =	swait.ge [sflag:s23], $0x1  }
0xa3: {  	[sflag:s23] =	ssyncset.done $0x0  }
0xa4: {  	s25 =	simm.s32 $0x1B8E;
	s24 =	sld [smem:$0x3FFE];
	[sflag:s23] =	ssyncadd.s32 $0xFFFFFFFF  }
0xa5: {  	s26 =	simm.s32 $execute0_lowered;
	[smem:$0x3FD2] =	sst s25  }
0xa6: {  	s4 =	sshll.u32 s26, $0x1;
	_ =	strace $0x8000004C;
	[dreg:$0x1] =	wrdreg $0xFFFFFFFF  }
0xa7: {  	s28 =	simm.s32 $_size_execute0_lowered;
	s2 =	sadd.s32 s2, s4;
	[dreg:$0x0] =	wrdreg $0x0  }
0xa8: {  	s4 =	sshll.u32 s28, $0x1;
	[dreg:$0x2] =	wrdreg s2  }
0xa9: {  	[dreg:$0x3] =	wrdreg s4  }
0xaa: {  	[dreg:$0x4] =	wrdreg $0xC0  }
0xab: {  	_ =	task [dreg:s6], $0x5FFFF  }
0xac: {  	[dreg:$0x1] =	wrdreg $0xFFFFFFFF  }
0xad: {  	[dreg:$0x0] =	wrdreg $0x60  }
0xae: {  	[dreg:$0x2] =	wrdreg s24  }
0xaf: {  	[dreg:$0x3] =	wrdreg $0x73800  }
0xb0: {  	[dreg:$0x4] =	wrdreg $0x9  }
0xb1: {  	_ =	task.clear_ibuf [dreg:s6], $0x5FFFF;
	_ =	strace $0x9000004C  }
0xb2: {  	s29 =	simm.s32 $0x9;
	_ =	strace $0x8000004E  }
0xb3: {  	_ =	swait.ge [sflag:s29], $0x1  }
0xb4: {  	[sflag:s29] =	ssyncadd.s32 $0xFFFFFFFF  }
0xb5: {  	_ =	strace $0x9000004E  }
0xb6: {  	_ =	sfence  }
0xb7: {  	s30 =	sld [smem:$0x0];
	_ =	sdelay $0x2  }
0xb8: {  	s31 =	sshll.u32 s1, $0xD;
	s1 =	sshrl.u32 s1, $0x2  }
0xb9: {  	s3 =	sand.u32 $0x4000, s31;
	s1 =	sadd.s32 s1, s30  }
0xba: {  	s0 =	sor.u32 s3, s0;
	s1 =	sshll.u32 s1, $0x11  }
0xbb: {  	s0 =	sor.u32 s1, s0  }
0xbc: {  	s0 =	sadd.s32 $0x8F2B, s0  }
0xbd: {  	[sflag:s0] =	ssyncadd.remote.s32 $0x1  }
0xbe: {  	_ =	sfence.sel $0xFFFF  }
0xbf: {  	[dreg:$0x0] =	wrdreg $0xFFFFFFFF;
	(pc) =	sbr.abs _section_cstart, $3  }
0xc0: {  	[dreg:$0x1] =	wrdreg $0xFFFFFFFF  }
0xc1: {  	_ =	task.clear_ibuf [dreg:s6], $0x2FFFF;
	_ =	strace $0x9FFFFFFF  }
0xc2: {  	(tm) =	ssettm $0x7FFFFFFF  }
0xc3: {  	_ =	shalt  }
tec
execute0_lowered:
.L_overlay_start_1:
0x0: {  	(tag) =	ssettag $0x1  }
0x1: {  	s0 =	srdreg.scid;
	s6 =	rddreg [dreg:$0x0]  }
0x2: {  	s2 =	rddreg [dreg:$0x1];
	s3 =	simm.s32 $0x0;
	s16 =	simm.s32 $0x27C0  }
0x3: {  	s17 =	simm.s32 $0x4F80;
	s18 =	simm.s32 $0x6;
	s19 =	simm.s32 $0x5  }
0x4: {  	s20 =	simm.s32 $0x60;
	s21 =	simm.s32 $0x1;
	s22 =	simm.s32 $0x6180  }
0x5: {  	s23 =	simm.s32 $0x2;
	s24 =	simm.s32 $0x2820;
	s25 =	simm.s32 $0x3  }
0x6: {  	s26 =	simm.s32 $0xC0;
	s5 =	sand.u32 $0x1, s0;
	s0 =	stileid.u32  }
0x7: {  	s28 =	simm.s32 $0x4;
	s29 =	simm.s32 $0x0;
	s8 =	smul.u32 $0xED0, s0  }
0x8: {  	[smem:$0x7FF] =	sst s3;
	s1 =	sshll.u32 s5, $0x4;
	s9 =	smul.u32 $0xED00, s5  }
0x9: {  	s5 =	ssub.s32 $0x2, s5;
	s10 =	smul.u32 $0x1DA00, s0;
	s4 =	sor.u32 s0, s1  }
0xa: {  	_ =	strace $0x8000004D;
	s30 =	sshrl.u32 s5, $0x1;
	s7 =	smul.u32 $0x4F8, s4  }
0xb: {  	s4 =	sadd.s32 $0x1C00, s6;
	s8 =	sadd.s32 s8, s9;
	s15 =	ssub.s32 s5, s30  }
.Ltmp0:
0xc: {  	s31 =	sshrl.u32 s10, $0x2;
	s14 =	sadd.s32 s8, s6;
	(pc) =	sbr.rel .LBB2_1-.Ltmp0, $4  }
0xd: {  	s15 =	smax.u32 s15, $0x1;
	s7 =	sadd.s32 s7, s6;
	s14 =	sadd.s32 $0x10800, s14  }
0xe: {  	s5 =	sadd.s32 $0x64E00, s7;
	s6 =	sadd.s32 $0x6EE00, s7;
	s7 =	sadd.s32 s31, s2  }
0xf: {  	s8 =	sadd.s32 $0x1200, s7;
	s9 =	sadd.s32 $0x2400, s7;
	s10 =	sadd.s32 $0x3600, s7  }
0x10: {  	v0 =	vimm.f32 $0.0e+00;
	s11 =	sadd.s32 $0x4800, s7;
	s12 =	sadd.s32 $0x5A00, s7;
	s13 =	sadd.s32 $0x6C00, s7  }
.LBB2_6:
0x11: {  	_ =	swait.ge [sflag:s28], $0x1200  }
0x12: {  	s1 =	sshll.u32 s0, $0x6;
	s29 =	sadd.s32 $0x1, s29;
	[sflag:s28] =	ssyncset.done $0x0  }
0x13: {  	s30 =	sshrl.u32 s7, $0x3;
	p0 =	sne.s32 s29, s15;
	[sflag:s28] =	ssyncadd.s32 $0xFFFFEE00  }
.Ltmp1:
0x14: {  	s1 =	sor.u32 $0x1C06, s1;
	[bflag:$0x0] =	sbarrier.arrive $0xFFFF;
	(pc) =	sbr.rel @!p0 .LBB2_7-.Ltmp1, $4  }
0x15: {  	[hbm:s14], [sflag:s1] =	dma.local [spmem:s30], $0xED0  }
0x16: {  	_ =	swait.ge [sflag:s18], $0xED0  }
0x17: {  	[sflag:s18] =	ssyncset.done $0x0  }
0x18: {  	[sflag:s18] =	ssyncadd.s32 $0xFFFFF130  }
.LBB2_1:
0x19: {  	[tilespmem:s3], [sflag:$0x5] =	stream.linear.gather [hbm4b:s5+s3], $0x27C0, $0x38;
	[tilespmem:$0xEA00] =	vst v63  }
0x1a: {  	s30 =	simm.s32 $0xC0;
	s31 =	simm.s32 $0x0  }
0x1b: {  	[tilespmem:s16], [sflag:$0x5] =	stream.linear.gather [hbm4b:s6+s3], $0x27C0, $0x38;
	[tilespmem:$0xEA00] =	vst v63  }
.LBB2_2:
0x1c: {  	p0 =	sne.s32 s30, $0x4740;
	[tilespmem:s31+$0x4FA0] =	vst v0;
	s1 =	smov.u32 s30;
	s30 =	sadd.s32 $0xC0, s30  }
.Ltmp2:
0x1d: {  	[tilespmem:s31+$0x4F80] =	vst v0;
	(pc) =	sbr.rel @p0 .LBB2_2-.Ltmp2, $2  }
0x1e: {  	[tilespmem:s31+$0x4F90] =	vst v0;
	_ =	sdelay $0x2  }
0x1f: {  	s31 =	sshra.s32 s1, $0x2  }
0x20: {  	[tilespmem:s31+$0x4FA0] =	vst v0  }
0x21: {  	[tilespmem:s31+$0x4F80] =	vst v0  }
0x22: {  	[tilespmem:s31+$0x4F90] =	vst v0  }
0x23: {  	[spmem:s7] =	stream.linear.scatter [tilespmem:s17], [sflag:$0x6], $0x1200, $0x38;
	[tilespmem:$0xEA00] =	vst v63  }
0x24: {  	_ =	swait.ge [sflag:s18], $0x1200  }
0x25: {  	[sflag:s18] =	ssyncset.done $0x0  }
0x26: {  	[sflag:s18] =	ssyncadd.s32 $0xFFFFEE00  }
0x27: {  	[spmem:s8] =	stream.linear.scatter [tilespmem:s17], [sflag:$0x6], $0x1200, $0x38;
	[tilespmem:$0xEA00] =	vst v63  }
0x28: {  	_ =	swait.ge [sflag:s18], $0x1200  }
0x29: {  	[sflag:s18] =	ssyncset.done $0x0  }
0x2a: {  	[sflag:s18] =	ssyncadd.s32 $0xFFFFEE00  }
0x2b: {  	[spmem:s9] =	stream.linear.scatter [tilespmem:s17], [sflag:$0x6], $0x1200, $0x38;
	[tilespmem:$0xEA00] =	vst v63  }
0x2c: {  	_ =	swait.ge [sflag:s18], $0x1200  }
0x2d: {  	[sflag:s18] =	ssyncset.done $0x0  }
0x2e: {  	[sflag:s18] =	ssyncadd.s32 $0xFFFFEE00  }
0x2f: {  	[spmem:s10] =	stream.linear.scatter [tilespmem:s17], [sflag:$0x6], $0x1200, $0x38;
	[tilespmem:$0xEA00] =	vst v63  }
0x30: {  	_ =	swait.ge [sflag:s18], $0x1200  }
0x31: {  	[sflag:s18] =	ssyncset.done $0x0  }
0x32: {  	[sflag:s18] =	ssyncadd.s32 $0xFFFFEE00  }
0x33: {  	[spmem:s11] =	stream.linear.scatter [tilespmem:s17], [sflag:$0x6], $0x1200, $0x38;
	[tilespmem:$0xEA00] =	vst v63  }
0x34: {  	_ =	swait.ge [sflag:s18], $0x1200  }
0x35: {  	[sflag:s18] =	ssyncset.done $0x0  }
0x36: {  	[sflag:s18] =	ssyncadd.s32 $0xFFFFEE00  }
0x37: {  	[spmem:s12] =	stream.linear.scatter [tilespmem:s17], [sflag:$0x6], $0x1200, $0x38;
	[tilespmem:$0xEA00] =	vst v63  }
0x38: {  	_ =	swait.ge [sflag:s18], $0x1200  }
0x39: {  	[sflag:s18] =	ssyncset.done $0x0  }
0x3a: {  	[sflag:s18] =	ssyncadd.s32 $0xFFFFEE00  }
0x3b: {  	[spmem:s13] =	stream.linear.scatter [tilespmem:s17], [sflag:$0x6], $0xA80, $0x38;
	[tilespmem:$0xEA00] =	vst v63  }
0x3c: {  	_ =	swait.ge [sflag:s18], $0xA80  }
0x3d: {  	[sflag:s18] =	ssyncset.done $0x0  }
0x3e: {  	[sflag:s18] =	ssyncadd.s32 $0xFFFFF580  }
0x3f: {  	_ =	swait.ge [sflag:s19], $0x27C0  }
0x40: {  	[sflag:s19] =	ssyncset.done $0x0  }
0x41: {  	[sflag:s19] =	ssyncadd.s32 $0xFFFFD840  }
0x42: {  	_ =	swait.ge [sflag:s19], $0x27C0  }
0x43: {  	[sflag:s19] =	ssyncset.done $0x0  }
0x44: {  	[sflag:s19] =	ssyncadd.s32 $0xFFFFD840  }
0x45: {  	[bflag:$0x0] =	sbarrier.arrive $0xFFFF  }
0x46: {  	[tilespmem:s17], [sflag:$0x1] =	stream.indirect.gather [hbm4b:s4+s20], $0x30, s3, s20, $0xb8;
	[tilespmem:$0xEA00] =	vst v63  }
0x47: {  	_ =	swait.ge [sflag:s21], $0x1200  }
0x48: {  	[sflag:s21] =	ssyncset.done $0x0  }
0x49: {  	[sflag:s21] =	ssyncadd.s32 $0xFFFFEE00  }
0x4a: {  	[spmem:s2] =	stream.indirect.scatter.add.f32 [tilespmem:s17], [sflag:$0x3], $0x30, s16, s20, $0xb8;
	[tilespmem:$0xEA00] =	vst v63  }
0x4b: {  	_ = 	snop  }
0x4c: {  	[tilespmem:s22], [sflag:$0x2] =	stream.indirect.gather [hbm4b:s4+s20], $0x30, s20, s20, $0xb8;
	[tilespmem:$0xEA00] =	vst v63  }
0x4d: {  	_ =	swait.ge [sflag:s23], $0x1200  }
0x4e: {  	[sflag:s23] =	ssyncset.done $0x0  }
0x4f: {  	[sflag:s23] =	ssyncadd.s32 $0xFFFFEE00  }
0x50: {  	[spmem:s2] =	stream.indirect.scatter.add.f32 [tilespmem:s22], [sflag:$0x4], $0x30, s24, s20, $0xb8;
	[tilespmem:$0xEA00] =	vst v63  }
0x51: {  	_ =	swait.ge [sflag:s25], $0x1200  }
0x52: {  	[sflag:s25] =	ssyncset.done $0x0  }
0x53: {  	s30 =	simm.s32 $0xFFFF6700;
	[sflag:s25] =	ssyncadd.s32 $0xFFFFEE00  }
0x54: {  	[tilespmem:s17], [sflag:$0x1] =	stream.indirect.gather [hbm4b:s4+s20], $0x30, s26, s20, $0xb8;
	[tilespmem:$0xEA00] =	vst v63  }
.LBB2_4:
0x55: {  	_ =	swait.ge [sflag:s21], $0x1200  }
0x56: {  	s31 =	sshra.s32 s30, $0x2;
	[sflag:s21] =	ssyncset.done $0x0  }
0x57: {  	s1 =	sadd.s32 $0x4EC0, s31;
	[sflag:s21] =	ssyncadd.s32 $0xFFFFEE00  }
0x58: {  	[spmem:s2] =	stream.indirect.scatter.add.f32 [tilespmem:s17], [sflag:$0x3], $0x30, s1, s20, $0xb8;
	[tilespmem:$0xEA00] =	vst v63  }
0x59: {  	_ =	swait.ge [sflag:s28], $0x1200  }
0x5a: {  	[sflag:s28] =	ssyncset.done $0x0  }
0x5b: {  	s1 =	sadd.s32 $0x2760, s31;
	[sflag:s28] =	ssyncadd.s32 $0xFFFFEE00  }
0x5c: {  	[tilespmem:s22], [sflag:$0x2] =	stream.indirect.gather [hbm4b:s4+s20], $0x30, s1, s20, $0xb8;
	[tilespmem:$0xEA00] =	vst v63  }
0x5d: {  	_ =	swait.ge [sflag:s23], $0x1200  }
0x5e: {  	p0 =	seq.s32 s30, $0x0;
	[sflag:s23] =	ssyncset.done $0x0  }
.Ltmp3:
0x5f: {  	s1 =	sadd.s32 $0x4F20, s31;
	[sflag:s23] =	ssyncadd.s32 $0xFFFFEE00;
	(pc) =	sbr.rel @p0 .LBB2_6-.Ltmp3, $4  }
0x60: {  	[spmem:s2] =	stream.indirect.scatter.add.f32 [tilespmem:s22], [sflag:$0x4], $0x30, s1, s20, $0xb8;
	[tilespmem:$0xEA00] =	vst v63  }
0x61: {  	_ =	swait.ge [sflag:s25], $0x1200  }
0x62: {  	[sflag:s25] =	ssyncset.done $0x0  }
0x63: {  	[sflag:s25] =	ssyncadd.s32 $0xFFFFEE00  }
.Ltmp4:
0x64: {  	(pc) =	sbr.rel .LBB2_4-.Ltmp4, $3  }
0x65: {  	_ =	sdelay $0x1  }
0x66: {  	s1 =	sadd.s32 $0x27C0, s31;
	s30 =	sadd.s32 $0x300, s30  }
0x67: {  	[tilespmem:s17], [sflag:$0x1] =	stream.indirect.gather [hbm4b:s4+s20], $0x30, s1, s20, $0xb8;
	[tilespmem:$0xEA00] =	vst v63  }
.LBB2_7:
0x68: {  	_ =	sfence.sel $0x180000  }
0x69: {  	[bflag:$0x0] =	sbarrier.arrive $0xFFFF  }
0x6a: {  	_ =	strace $0x9000004D  }
0x6b: {  	[bflag:$0x2] =	sbarrier.arrive $0xFFFF  }
0x6c: {  	p0 =	sne.s32 s0, $0x0;
	s0 =	rddreg [dreg:$0x2]  }
0x6d: {  	s0 =	sadd.s32 @!p0 $0x100000, s0  }
0x6e: {  	[sflag:s0] =	ssyncadd.tile.s32 @!p0 $0x1;
	_ =	shalt  }
.Lfunc_end2:
_tile_overlayer_lowered:
.L_overlay_start_2:
0x6f: {  	(tag) =	ssettag $0x2  }
0x70: {  	s0 =	rddreg [dreg:$0x0];
	s2 =	stileid.u32  }
0x71: {  	s1 =	rddreg [dreg:$0x1];
	p0 =	sne.s32 s2, $0x0  }
0x72: {  	s3 =	rddreg [dreg:$0x2];
	[bflag:$0x3] =	sbarrier.arrive $0xFFFF;
	s2 =	simm.s32 @!p0 $0x1C06  }
0x73: {  	[timem:s3], [sflag:s2] =	dma.local @!p0 [hbm:s0], s1  }
0x74: {  	s0 =	simm.s32 @!p0 $0x6  }
0x75: {  	_ =	swait.ge @!p0 [sflag:s0], s1  }
0x76: {  	s1 =	ssub.s32 @!p0 $0x0, s1;
	[sflag:s0] =	ssyncset.done @!p0 $0x0  }
0x77: {  	[sflag:s0] =	ssyncadd.s32 @!p0 s1  }
0x78: {  	[bflag:$0x3] =	sbarrier.arrive $0xFFFF  }
0x79: {  	_ =	shalt  }

// kernel: kernel.9.cloned.1.call-start
scs
__scs_entry_jumppad:
0x0: {  	(pc) =	sbr.rel $0x88, $3  }
0x1: {  	(tag) =	ssettag $0x0;
	lr =	simm.s32 $0x1  }
0x2: {  	[smem:$0x3F99] =	sst lr;
	_ =	strace $0xD0000000  }
0x3: {  	_ = 	snop  }
0x4: {  	_ = 	snop  }
0x5: {  	_ = 	snop  }
0x6: {  	_ = 	snop  }
0x7: {  	_ = 	snop  }
__scs_overlays_trampoline_lowered:
0x8: {  	[smem:$0x3FA8] =	sst s0  }
0x9: {  	[smem:$0x3FA9] =	sst s1  }
0xa: {  	[smem:$0x3FAA] =	sst s2  }
0xb: {  	[smem:$0x3FAB] =	sst s3  }
0xc: {  	[smem:$0x3FAC] =	sst s4  }
0xd: {  	[smem:$0x3FAD] =	sst s5  }
0xe: {  	[smem:$0x3FAE] =	sst s6  }
0xf: {  	[smem:$0x3FAF] =	sst s7  }
0x10: {  	[smem:$0x3FB0] =	sst s8  }
0x11: {  	[smem:$0x3FB1] =	sst s9;
	s0 =	simm.s32 @!p0 $0x0  }
0x12: {  	s1 =	sld [smem:$0x3F97];
	s0 =	simm.s32 @p0 $0x1  }
0x13: {  	[smem:$0x3FB2] =	sst s0;
	s0 =	simm.s32 @!p1 $0x0  }
0x14: {  	s2 =	sld [smem:$0x3F96];
	s0 =	simm.s32 @p1 $0x1  }
0x15: {  	[smem:$0x3FB3] =	sst s0;
	s0 =	simm.s32 @!p2 $0x0  }
0x16: {  	s3 =	sld [smem:$0x3FDB];
	s0 =	simm.s32 @p2 $0x1  }
0x17: {  	s4 =	simm.s32 $0x1BF5;
	[smem:$0x3FB5] =	sst s0  }
0x18: {  	s0 =	sld [smem:$0x3F98];
	_ =	swait.ge [sflag:s4], $0x0  }
0x19: {  	s7 =	sld [smem:$0x3F99]  }
0x1a: {  	s8 =	sadd.s32 $0xFFFFE003, lr  }
0x1b: {  	s9 =	sadd.s32 $0xFFFFFEF7, lr;
	s5 =	simm.s32 $0xFFFFFFFF;
	p2 =	slt.u32 s8, $0xFFFFF086  }
0x1c: {  	p1 =	slt.u32 s9, $0xF7A;
	s5 =	simm.s32 @!p2 $0x0  }
0x1d: {  	s5 =	simm.s32 @p1 $0x1;
	p0 =	seq.s32 s7, s2  }
0x1e: {  	s7 =	smul.u32 @!p0 $0xF7A, s2;
	p2 =	seq.s32 @!p0 s5, $0x0  }
0x1f: {  	s9 =	smul.u32 $0xF7A, s1;
	s8 =	simm.s32 @!p0 $0x1BF5;
	p2 =	por !p2, p0  }
0x20: {  	[sflag:s8] =	ssyncset.s32 @!p0 $0xFFFFF086;
	s6 =	sadd.s32 @!p0 s3, s7;
	s7 =	simm.s32 @!p0 $0x108  }
0x21: {  	s3 =	sadd.s32 s3, s9;
	s6 =	sadd.s32 @!p0 $0x88, s6;
	s7 =	simm.s32 @p2 $0x1082  }
0x22: {  	[simem:s7], [sflag:s8] =	dma.local @!p0 [hbm:s6], $0xF7A  }
0x23: {  	s9 =	sor.u32 $0xD0000000, s2;
	s6 =	simm.s32 $0x108;
	_ =	swait.ge @!p0 [sflag:s8], $0x0  }
0x24: {  	s3 =	sadd.s32 $0x88, s3;
	s6 =	simm.s32 @!p1 $0x1082;
	[sflag:s4] =	ssyncset.s32 $0xFFFFF086  }
0x25: {  	[simem:s6], [sflag:s4] =	dma.local [hbm:s3], $0xF7A  }
0x26: {  	[smem:$0x3F99] =	sst s1;
	(tag) =	ssettag s2;
	_ =	strace s9  }
0x27: {  	s1 =	sld [smem:$0x3FA9]  }
0x28: {  	s2 =	sld [smem:$0x3FAA]  }
0x29: {  	s4 =	sld [smem:$0x3FAC]  }
0x2a: {  	p0 =	seq.s32 s5, $0x0;
	s5 =	sld [smem:$0x3FAD]  }
0x2b: {  	s6 =	sld [smem:$0x3FAE]  }
0x2c: {  	s7 =	sld [smem:$0x3FAF]  }
0x2d: {  	s3 =	simm.s32 $0x108;
	s8 =	sld [smem:$0x3FB0]  }
0x2e: {  	s3 =	simm.s32 @!p0 $0x1082;
	s9 =	sld [smem:$0x3FB1]  }
0x2f: {  	lr =	sadd.s32 s0, s3;
	s0 =	sld [smem:$0x3FA8]  }
0x30: {  	s3 =	sld [smem:$0x3FAB]  }
0x31: {  	[smem:$0x3FB4] =	sst s10  }
0x32: {  	s10 =	sld [smem:$0x3FB2];
	_ =	sdelay $0x3  }
0x33: {  	p0 =	seq.s32 s10, $0x1;
	s10 =	sld [smem:$0x3FB4];
	_ =	sdelay $0x3  }
0x34: {  	[smem:$0x3FB4] =	sst s10  }
0x35: {  	s10 =	sld [smem:$0x3FB3];
	_ =	sdelay $0x3  }
0x36: {  	p1 =	seq.s32 s10, $0x1;
	s10 =	sld [smem:$0x3FB4];
	_ =	sdelay $0x3  }
0x37: {  	[smem:$0x3FB4] =	sst s10  }
0x38: {  	s10 =	sld [smem:$0x3FB5]  }
0x39: {  	_ = 	snop;
	(pc) =	sbr.ind lr, $3  }
0x3a: {  	_ = 	snop  }
0x3b: {  	_ = 	snop  }
0x3c: {  	p2 =	seq.s32 s10, $0x1;
	s10 =	sld [smem:$0x3FB4]  }
0x3d: {  	_ =	shalt  }
0x3e: {  	_ =	shalt  }
0x3f: {  	_ =	shalt  }
0x40: {  	_ =	shalt  }
0x41: {  	_ =	shalt  }
0x42: {  	_ =	shalt  }
0x43: {  	_ =	shalt  }
0x44: {  	_ =	shalt  }
0x45: {  	_ =	shalt  }
0x46: {  	_ =	shalt  }
0x47: {  	_ =	shalt  }
0x48: {  	_ =	shalt  }
0x49: {  	_ =	shalt  }
0x4a: {  	_ =	shalt  }
0x4b: {  	_ =	shalt  }
0x4c: {  	_ =	shalt  }
0x4d: {  	_ =	shalt  }
0x4e: {  	_ =	shalt  }
0x4f: {  	_ =	shalt  }
0x50: {  	_ =	shalt  }
0x51: {  	_ =	shalt  }
0x52: {  	_ =	shalt  }
0x53: {  	_ =	shalt  }
0x54: {  	_ =	shalt  }
0x55: {  	_ =	shalt  }
0x56: {  	_ =	shalt  }
0x57: {  	_ =	shalt  }
0x58: {  	_ =	shalt  }
0x59: {  	_ =	shalt  }
0x5a: {  	_ =	shalt  }
0x5b: {  	_ =	shalt  }
0x5c: {  	_ =	shalt  }
0x5d: {  	_ =	shalt  }
0x5e: {  	_ =	shalt  }
0x5f: {  	_ =	shalt  }
0x60: {  	_ =	shalt  }
0x61: {  	_ =	shalt  }
0x62: {  	_ =	shalt  }
0x63: {  	_ =	shalt  }
0x64: {  	_ =	shalt  }
0x65: {  	_ =	shalt  }
0x66: {  	_ =	shalt  }
0x67: {  	_ =	shalt  }
0x68: {  	_ =	shalt  }
0x69: {  	_ =	shalt  }
0x6a: {  	_ =	shalt  }
0x6b: {  	_ =	shalt  }
0x6c: {  	_ =	shalt  }
0x6d: {  	_ =	shalt  }
0x6e: {  	_ =	shalt  }
0x6f: {  	_ =	shalt  }
0x70: {  	_ =	shalt  }
0x71: {  	_ =	shalt  }
0x72: {  	_ =	shalt  }
0x73: {  	_ =	shalt  }
0x74: {  	_ =	shalt  }
0x75: {  	_ =	shalt  }
0x76: {  	_ =	shalt  }
0x77: {  	_ =	shalt  }
0x78: {  	_ =	shalt  }
0x79: {  	_ =	shalt  }
0x7a: {  	_ =	shalt  }
0x7b: {  	_ =	shalt  }
0x7c: {  	_ =	shalt  }
0x7d: {  	_ =	shalt  }
0x7e: {  	_ =	shalt  }
0x7f: {  	_ =	shalt  }
0x80: {  	_ =	shalt  }
0x81: {  	_ =	shalt  }
0x82: {  	_ =	shalt  }
0x83: {  	_ =	shalt  }
0x84: {  	_ =	shalt  }
0x85: {  	_ =	shalt  }
0x86: {  	_ =	shalt  }
0x87: {  	_ =	shalt  }
.Lfunc_end0:
.L_simem_size_0:
called_computation_lowered:
.L_overlay_start_0:
0x88: {  	s2 =	sld [smem:$0x3FD9]  }
0x89: {  	s3 =	sld [smem:$0x3FFE];
	_ =	sdelay $0x1  }
0x8a: {  	s1 =	srdreg.scid  }
0x8b: {  	s0 =	sand.u32 $0x1, s1  }
0x8c: {  	s17 =	sshll.u32 s0, $0xA;
	s2 =	sadd.s32 s3, s2  }
0x8d: {  	s2 =	sadd.s32 s2, s17  }
0x8e: {  	[smem:$0x3FC0] =	sst s2  }
0x8f: {  	_ = 	snop  }
0x90: {  	s2 =	sld [smem:$0x3FD0];
	(tm) =	ssettm $0x1  }
0x91: {  	s18 =	sld [smem:$0x3FFB];
	_ =	sdelay $0x3  }
0x92: {  	_ =	strace s18  }
0x93: {  	s3 =	sld [smem:$0x3FFC];
	_ =	sdelay $0x3  }
0x94: {  	_ =	strace s3  }
0x95: {  	s3 =	sld [smem:$0x3FFD];
	_ =	sdelay $0x3  }
0x96: {  	_ =	strace s3  }
0x97: {  	_ =	strace $0x8FFFFFFF  }
0x98: {  	s19 =	sld [smem:$0x3FDB];
	_ =	sdelay $0x1  }
0x99: {  	s4 =	simm.s32 $_scs_section_size  }
0x9a: {  	s5 =	simm.s32 $_size__tile_overlayer_lowered;
	s6 =	simm.s32 $_tile_overlayer_lowered  }
0x9b: {  	s22 =	simm.s32 $0x1BFF;
	s21 =	sshll.u32 s6, $0x1;
	s3 =	sadd.s32 s4, s19  }
0x9c: {  	s7 =	simm.s32 $0x0;
	s20 =	sshll.u32 s5, $0x1;
	s5 =	sadd.s32 s21, s3  }
0x9d: {  	[timem:s7], [sflag:s22] =	dma.local [hbm:s5], s20  }
0x9e: {  	_ =	swait.ge [sflag:s22], s20  }
0x9f: {  	s4 =	ssub.s32 $0x0, s20;
	[sflag:s22] =	ssyncset.done $0x0  }
0xa0: {  	[sflag:s22] =	ssyncadd.s32 s4;
	_ =	sdelay $0x1  }
0xa1: {  	s23 =	simm.s32 $0x1B8B  }
0xa2: {  	_ =	swait.ge [sflag:s23], $0x1  }
0xa3: {  	[sflag:s23] =	ssyncset.done $0x0  }
0xa4: {  	s25 =	simm.s32 $0x1B8E;
	s24 =	sld [smem:$0x3FFE];
	[sflag:s23] =	ssyncadd.s32 $0xFFFFFFFF  }
0xa5: {  	s26 =	simm.s32 $execute0_lowered;
	[smem:$0x3FD2] =	sst s25  }
0xa6: {  	s5 =	sshll.u32 s26, $0x1;
	_ =	strace $0x80000046;
	[dreg:$0x1] =	wrdreg $0xFFFFFFFF  }
0xa7: {  	s28 =	simm.s32 $_size_execute0_lowered;
	s3 =	sadd.s32 s3, s5;
	[dreg:$0x0] =	wrdreg $0x0  }
0xa8: {  	s5 =	sshll.u32 s28, $0x1;
	[dreg:$0x2] =	wrdreg s3  }
0xa9: {  	[dreg:$0x3] =	wrdreg s5  }
0xaa: {  	[dreg:$0x4] =	wrdreg $0xC0  }
0xab: {  	_ =	task [dreg:s7], $0x5FFFF  }
0xac: {  	[dreg:$0x1] =	wrdreg $0xFFFFFFFF  }
0xad: {  	[dreg:$0x0] =	wrdreg $0x60  }
0xae: {  	[dreg:$0x2] =	wrdreg s24  }
0xaf: {  	[dreg:$0x3] =	wrdreg s2  }
0xb0: {  	[dreg:$0x4] =	wrdreg $0xE0000  }
0xb1: {  	[dreg:$0x5] =	wrdreg $0x9  }
0xb2: {  	_ =	task.clear_ibuf [dreg:s7], $0x6FFFF;
	_ =	strace $0x90000046  }
0xb3: {  	s29 =	simm.s32 $0x9;
	_ =	strace $0x80000048  }
0xb4: {  	_ =	swait.ge [sflag:s29], $0x1  }
0xb5: {  	[sflag:s29] =	ssyncadd.s32 $0xFFFFFFFF  }
0xb6: {  	_ =	strace $0x90000048  }
0xb7: {  	_ =	sfence  }
0xb8: {  	s30 =	sld [smem:$0x0];
	_ =	sdelay $0x2  }
0xb9: {  	s31 =	sshll.u32 s1, $0xD;
	s1 =	sshrl.u32 s1, $0x2  }
0xba: {  	s3 =	sand.u32 $0x4000, s31;
	s1 =	sadd.s32 s1, s30  }
0xbb: {  	s0 =	sor.u32 s3, s0;
	s1 =	sshll.u32 s1, $0x11  }
0xbc: {  	s0 =	sor.u32 s1, s0  }
0xbd: {  	s0 =	sadd.s32 $0x8F2B, s0  }
0xbe: {  	[sflag:s0] =	ssyncadd.remote.s32 $0x1  }
0xbf: {  	_ =	sfence.sel $0xFFFF  }
0xc0: {  	[dreg:$0x0] =	wrdreg $0xFFFFFFFF;
	(pc) =	sbr.abs _section_cstart, $3  }
0xc1: {  	[dreg:$0x1] =	wrdreg $0xFFFFFFFF  }
0xc2: {  	_ =	task.clear_ibuf [dreg:s7], $0x2FFFF;
	_ =	strace $0x9FFFFFFF  }
0xc3: {  	(tm) =	ssettm $0x7FFFFFFF  }
tec
execute0_lowered:
.L_overlay_start_1:
0x0: {  	(tag) =	ssettag $0x1  }
0x1: {  	s5 =	rddreg [dreg:$0x0]  }
0x2: {  	s7 =	rddreg [dreg:$0x1]  }
0x3: {  	s1 =	srdreg.scid;
	s0 =	stileid.u32  }
0x4: {  	s2 =	rddreg [dreg:$0x2];
	s3 =	simm.s32 $0x0;
	s15 =	simm.s32 $0xA000  }
0x5: {  	s16 =	simm.s32 $0x6;
	s17 =	simm.s32 $0x5;
	s18 =	simm.s32 $0x80  }
0x6: {  	s19 =	simm.s32 $0x1;
	s20 =	simm.s32 $0xC000;
	s21 =	simm.s32 $0x2  }
0x7: {  	s22 =	simm.s32 $0x5080;
	s23 =	simm.s32 $0x3;
	s8 =	smul.u32 $0x5000, s0  }
0x8: {  	s24 =	simm.s32 $0x100;
	s25 =	simm.s32 $0x4;
	s9 =	smul.u32 $0x1400, s0  }
0x9: {  	s6 =	sand.u32 $0x1, s1;
	s1 =	rddreg [dreg:$0x3];
	s12 =	smul.u32 $0x28000, s0  }
0xa: {  	s26 =	simm.s32 $0x0;
	[smem:$0x7FF] =	sst s3;
	s4 =	smul.u32 $0x50000, s6  }
0xb: {  	_ =	strace $0x80000047;
	s11 =	smul.u32 $0x14000, s6;
	s6 =	ssub.s32 $0x2, s6  }
0xc: {  	s30 =	sshrl.u32 s6, $0x1;
	s31 =	sshrl.u32 s12, $0x2;
	s10 =	sadd.s32 s8, s4  }
0xd: {  	s4 =	sadd.s32 $0x1C00, s5;
	s9 =	sadd.s32 s9, s11;
	s14 =	ssub.s32 s6, s30  }
.Ltmp0:
0xe: {  	s8 =	sshrl.u32 s8, $0x3;
	s10 =	sshrl.u32 s10, $0x3;
	(pc) =	sbr.rel .LBB2_1-.Ltmp0, $4  }
0xf: {  	s13 =	sadd.s32 s9, s5;
	s7 =	sadd.s32 s7, s8;
	s10 =	sadd.s32 s10, s5  }
0x10: {  	s5 =	sadd.s32 s31, s2;
	s12 =	sadd.s32 $0x3CE00, s13;
	s13 =	smax.u32 s14, $0x1  }
0x11: {  	s14 =	simm.s32 $0x5000;
	s6 =	sadd.s32 $0x28E00, s10;
	s8 =	sadd.s32 $0x2000, s5  }
0x12: {  	v0 =	vimm.f32 $0.0e+00;
	s9 =	sadd.s32 $0x4000, s5;
	s10 =	sadd.s32 $0x6000, s5;
	s11 =	sadd.s32 $0x8000, s5  }
.LBB2_6:
0x13: {  	_ =	swait.ge [sflag:s25], $0x2000  }
0x14: {  	s28 =	sshll.u32 s0, $0x6;
	s26 =	sadd.s32 $0x1, s26;
	[sflag:s25] =	ssyncset.done $0x0  }
0x15: {  	s29 =	sshrl.u32 s5, $0x3;
	p0 =	sne.s32 s26, s13;
	[sflag:s25] =	ssyncadd.s32 $0xFFFFE000  }
.Ltmp1:
0x16: {  	s28 =	sor.u32 $0x1C06, s28;
	[bflag:$0x0] =	sbarrier.arrive $0xFFFF;
	(pc) =	sbr.rel @!p0 .LBB2_7-.Ltmp1, $4  }
0x17: {  	[hbm:s12], [sflag:s28] =	dma.local [spmem:s29], $0x1400  }
0x18: {  	_ =	swait.ge [sflag:s16], $0x1400  }
0x19: {  	[sflag:s16] =	ssyncset.done $0x0  }
0x1a: {  	[sflag:s16] =	ssyncadd.s32 $0xFFFFEC00  }
.LBB2_1:
0x1b: {  	[tilespmem:s3], [sflag:$0x5] =	stream.linear.gather [hbm4b:s6+s3], $0x5000, $0x38;
	[tilespmem:$0x18000] =	vst v63  }
0x1c: {  	s29 =	simm.s32 $0x100;
	s28 =	simm.s32 $0x0  }
0x1d: {  	[tilespmem:s14], [sflag:$0x5] =	stream.linear.gather [hbm4b:s7+s3], $0x5000, $0x38;
	[tilespmem:$0x18000] =	vst v63  }
.LBB2_2:
0x1e: {  	p0 =	sne.s32 s29, $0x7F00;
	[tilespmem:s28+$0xA030] =	vst v0;
	s30 =	smov.u32 s29;
	s29 =	sadd.s32 $0x100, s29  }
.Ltmp2:
0x1f: {  	[tilespmem:s28+$0xA020] =	vst v0;
	(pc) =	sbr.rel @p0 .LBB2_2-.Ltmp2, $3  }
0x20: {  	[tilespmem:s28+$0xA000] =	vst v0  }
0x21: {  	[tilespmem:s28+$0xA010] =	vst v0;
	_ =	sdelay $0x1  }
0x22: {  	s28 =	sshra.s32 s30, $0x2  }
0x23: {  	[tilespmem:s28+$0xA030] =	vst v0  }
0x24: {  	[tilespmem:s28+$0xA020] =	vst v0  }
0x25: {  	[tilespmem:s28+$0xA000] =	vst v0  }
0x26: {  	[tilespmem:s28+$0xA010] =	vst v0  }
0x27: {  	[spmem:s5] =	stream.linear.scatter [tilespmem:s15], [sflag:$0x6], $0x2000, $0x38;
	[tilespmem:$0x18000] =	vst v63  }
0x28: {  	_ =	swait.ge [sflag:s16], $0x2000  }
0x29: {  	[sflag:s16] =	ssyncset.done $0x0  }
0x2a: {  	[sflag:s16] =	ssyncadd.s32 $0xFFFFE000  }
0x2b: {  	[spmem:s8] =	stream.linear.scatter [tilespmem:s15], [sflag:$0x6], $0x2000, $0x38;
	[tilespmem:$0x18000] =	vst v63  }
0x2c: {  	_ =	swait.ge [sflag:s16], $0x2000  }
0x2d: {  	[sflag:s16] =	ssyncset.done $0x0  }
0x2e: {  	[sflag:s16] =	ssyncadd.s32 $0xFFFFE000  }
0x2f: {  	[spmem:s9] =	stream.linear.scatter [tilespmem:s15], [sflag:$0x6], $0x2000, $0x38;
	[tilespmem:$0x18000] =	vst v63  }
0x30: {  	_ =	swait.ge [sflag:s16], $0x2000  }
0x31: {  	[sflag:s16] =	ssyncset.done $0x0  }
0x32: {  	[sflag:s16] =	ssyncadd.s32 $0xFFFFE000  }
0x33: {  	[spmem:s10] =	stream.linear.scatter [tilespmem:s15], [sflag:$0x6], $0x2000, $0x38;
	[tilespmem:$0x18000] =	vst v63  }
0x34: {  	_ =	swait.ge [sflag:s16], $0x2000  }
0x35: {  	[sflag:s16] =	ssyncset.done $0x0  }
0x36: {  	[sflag:s16] =	ssyncadd.s32 $0xFFFFE000  }
0x37: {  	[spmem:s11] =	stream.linear.scatter [tilespmem:s15], [sflag:$0x6], $0x2000, $0x38;
	[tilespmem:$0x18000] =	vst v63  }
0x38: {  	_ =	swait.ge [sflag:s16], $0x2000  }
0x39: {  	[sflag:s16] =	ssyncset.done $0x0  }
0x3a: {  	[sflag:s16] =	ssyncadd.s32 $0xFFFFE000  }
0x3b: {  	_ =	swait.ge [sflag:s17], $0x5000  }
0x3c: {  	[sflag:s17] =	ssyncset.done $0x0  }
0x3d: {  	[sflag:s17] =	ssyncadd.s32 $0xFFFFB000  }
0x3e: {  	_ =	swait.ge [sflag:s17], $0x5000  }
0x3f: {  	[sflag:s17] =	ssyncset.done $0x0  }
0x40: {  	[sflag:s17] =	ssyncadd.s32 $0xFFFFB000  }
0x41: {  	[bflag:$0x0] =	sbarrier.arrive $0xFFFF  }
0x42: {  	[tilespmem:s15], [sflag:$0x1] =	stream.indirect.gather [hbm4b:s4+s18], $0x40, s3, s18, $0xb8;
	[tilespmem:$0x18000] =	vst v63  }
0x43: {  	_ =	swait.ge [sflag:s19], $0x2000  }
0x44: {  	[sflag:s19] =	ssyncset.done $0x0  }
0x45: {  	[sflag:s19] =	ssyncadd.s32 $0xFFFFE000  }
0x46: {  	[spmem:s2] =	stream.indirect.scatter.add.f32 [tilespmem:s15], [sflag:$0x3], $0x40, s14, s18, $0xb8;
	[tilespmem:$0x18000] =	vst v63  }
0x47: {  	_ = 	snop  }
0x48: {  	[tilespmem:s20], [sflag:$0x2] =	stream.indirect.gather [hbm4b:s4+s18], $0x40, s18, s18, $0xb8;
	[tilespmem:$0x18000] =	vst v63  }
0x49: {  	_ =	swait.ge [sflag:s21], $0x2000  }
0x4a: {  	[sflag:s21] =	ssyncset.done $0x0  }
0x4b: {  	[sflag:s21] =	ssyncadd.s32 $0xFFFFE000  }
0x4c: {  	[spmem:s2] =	stream.indirect.scatter.add.f32 [tilespmem:s20], [sflag:$0x4], $0x40, s22, s18, $0xb8;
	[tilespmem:$0x18000] =	vst v63  }
0x4d: {  	_ =	swait.ge [sflag:s23], $0x2000  }
0x4e: {  	[sflag:s23] =	ssyncset.done $0x0  }
0x4f: {  	s28 =	simm.s32 $0xFFFEC800;
	[sflag:s23] =	ssyncadd.s32 $0xFFFFE000  }
0x50: {  	[tilespmem:s15], [sflag:$0x1] =	stream.indirect.gather [hbm4b:s4+s18], $0x40, s24, s18, $0xb8;
	[tilespmem:$0x18000] =	vst v63  }
.LBB2_4:
0x51: {  	_ =	swait.ge [sflag:s19], $0x2000  }
0x52: {  	s29 =	sshra.s32 s28, $0x2;
	[sflag:s19] =	ssyncset.done $0x0  }
0x53: {  	s30 =	sadd.s32 $0x9F00, s29;
	[sflag:s19] =	ssyncadd.s32 $0xFFFFE000  }
0x54: {  	[spmem:s2] =	stream.indirect.scatter.add.f32 [tilespmem:s15], [sflag:$0x3], $0x40, s30, s18, $0xb8;
	[tilespmem:$0x18000] =	vst v63  }
0x55: {  	_ =	swait.ge [sflag:s25], $0x2000  }
0x56: {  	[sflag:s25] =	ssyncset.done $0x0  }
0x57: {  	s31 =	sadd.s32 $0x4F80, s29;
	[sflag:s25] =	ssyncadd.s32 $0xFFFFE000  }
0x58: {  	[tilespmem:s20], [sflag:$0x2] =	stream.indirect.gather [hbm4b:s4+s18], $0x40, s31, s18, $0xb8;
	[tilespmem:$0x18000] =	vst v63  }
0x59: {  	_ =	swait.ge [sflag:s21], $0x2000  }
0x5a: {  	p0 =	seq.s32 s28, $0x0;
	[sflag:s21] =	ssyncset.done $0x0  }
.Ltmp3:
0x5b: {  	s31 =	sadd.s32 $0x9F80, s29;
	[sflag:s21] =	ssyncadd.s32 $0xFFFFE000;
	(pc) =	sbr.rel @p0 .LBB2_6-.Ltmp3, $4  }
0x5c: {  	[spmem:s2] =	stream.indirect.scatter.add.f32 [tilespmem:s20], [sflag:$0x4], $0x40, s31, s18, $0xb8;
	[tilespmem:$0x18000] =	vst v63  }
0x5d: {  	_ =	swait.ge [sflag:s23], $0x2000  }
0x5e: {  	[sflag:s23] =	ssyncset.done $0x0  }
0x5f: {  	[sflag:s23] =	ssyncadd.s32 $0xFFFFE000  }
.Ltmp4:
0x60: {  	(pc) =	sbr.rel .LBB2_4-.Ltmp4, $3  }
0x61: {  	_ =	sdelay $0x1  }
0x62: {  	s29 =	sadd.s32 $0x5000, s29;
	s28 =	sadd.s32 $0x400, s28  }
0x63: {  	[tilespmem:s15], [sflag:$0x1] =	stream.indirect.gather [hbm4b:s4+s18], $0x40, s29, s18, $0xb8;
	[tilespmem:$0x18000] =	vst v63  }
.LBB2_7:
0x64: {  	_ =	sfence.sel $0x180000  }
0x65: {  	[bflag:$0x0] =	sbarrier.arrive $0xFFFF  }
0x66: {  	p0 =	sne.s32 s0, $0x0;
	_ =	strace $0x90000047  }
0x67: {  	s0 =	sadd.s32 @!p0 $0x100000, s1;
	[bflag:$0x2] =	sbarrier.arrive $0xFFFF  }
0x68: {  	[sflag:s0] =	ssyncadd.tile.s32 @!p0 $0x1;
	_ =	shalt  }
.Lfunc_end2:
_tile_overlayer_lowered:
.L_overlay_start_2:
0x69: {  	(tag) =	ssettag $0x2  }
0x6a: {  	s0 =	rddreg [dreg:$0x0];
	s2 =	stileid.u32  }
0x6b: {  	s1 =	rddreg [dreg:$0x1];
	p0 =	sne.s32 s2, $0x0  }
0x6c: {  	s3 =	rddreg [dreg:$0x2];
	[bflag:$0x3] =	sbarrier.arrive $0xFFFF;
	s2 =	simm.s32 @!p0 $0x1C06  }
0x6d: {  	[timem:s3], [sflag:s2] =	dma.local @!p0 [hbm:s0], s1  }
0x6e: {  	s0 =	simm.s32 @!p0 $0x6  }
0x6f: {  	_ =	swait.ge @!p0 [sflag:s0], s1  }
0x70: {  	s1 =	ssub.s32 @!p0 $0x0, s1;
	[sflag:s0] =	ssyncset.done @!p0 $0x0  }
0x71: {  	[sflag:s0] =	ssyncadd.s32 @!p0 s1  }
0x72: {  	[bflag:$0x3] =	sbarrier.arrive $0xFFFF  }
0x73: {  	_ =	shalt  }

</sc_bundles>
